<compile_context>
chip_gen: v7x
topology: tpu7x:2x2x1
jax: 0.10.2.dev20260603
libtpu: 0.0.44.dev20260713+nightly
codegen_flags: <defaults>
</compile_context>

<pallas_src>
import functools

import jax
import jax.numpy as jnp
from jax import lax
from jax.experimental import pallas as pl
from jax.experimental.pallas import tpu as pltpu
from jax.experimental.pallas import tpu_sc as plsc

N_ELEC = 128
EMBED_DIM = 256
LANES = 16
NUM_CORES = 1
NUM_SUBCORES = 16
NUM_WORKERS = NUM_CORES * NUM_SUBCORES
ROWS_PER_WORKER = N_ELEC // NUM_WORKERS
CHUNKS = EMBED_DIM // LANES
TYPES_OFF = 2 * EMBED_DIM
AUX_LEN = TYPES_OFF + NUM_WORKERS * LANES


@functools.partial(
    pl.kernel,
    mesh=plsc.VectorSubcoreMesh(
        core_axis_name="c", subcore_axis_name="s", num_cores=NUM_CORES),
    out_type=jax.ShapeDtypeStruct((N_ELEC, EMBED_DIM), jnp.float32),
    scratch_types=[
        pltpu.VMEM((AUX_LEN,), jnp.float32),
        pltpu.VMEM((ROWS_PER_WORKER, EMBED_DIM), jnp.float32),
        pltpu.SemaphoreType.DMA,
    ],
)
def _embed_kernel(aux_hbm, out_hbm, aux_v, rows_v, sem):
    wid = lax.axis_index("s") * NUM_CORES + lax.axis_index("c")
    pltpu.async_copy(aux_hbm, aux_v, sem).wait()
    tv = aux_v[pl.ds(TYPES_OFF + wid * LANES, LANES)]
    for c in range(CHUNKS):
        t0 = aux_v[pl.ds(c * LANES, LANES)]
        diff = aux_v[pl.ds(EMBED_DIM + c * LANES, LANES)] - t0
        for r in range(ROWS_PER_WORKER):
            rows_v[r, pl.ds(c * LANES, LANES)] = t0 + tv[r] * diff
    pltpu.sync_copy(
        rows_v, out_hbm.at[pl.ds(wid * ROWS_PER_WORKER, ROWS_PER_WORKER)])


def kernel(phys_conf, nucleus_embedding, table, elec_types):
    del phys_conf, nucleus_embedding
    idx = elec_types.reshape(NUM_WORKERS, ROWS_PER_WORKER)
    idx = jnp.pad(idx, ((0, 0), (0, LANES - ROWS_PER_WORKER)))
    aux = jnp.concatenate(
        [table.reshape(-1), idx.astype(jnp.float32).reshape(-1)])
    return _embed_kernel(aux)

# --- scband reference (transcript-rebuilt; emitter-appended) ---
"""Pipeline reference for scband-electron-embedding-43413529428760 (READ-ONLY COPY).

The authoritative reference and input builder live on the scoring server;
editing this copy changes nothing except your own understanding.
"""

import jax, jax.numpy as jnp
import numpy as np

N_UP = 64
N_DOWN = 64
N_ELEC = N_UP + N_DOWN
N_ELEC_TYPES = 2
EMBED_DIM = 256
N_NUC = 32


def setup_inputs(seed: int = 0) -> dict:
    key = jax.random.key(seed)
    k1, k2, k3 = jax.random.split(key, 3)
    phys_conf = jax.random.normal(k1, (N_ELEC, 3), dtype=jnp.float32)
    nucleus_embedding = jax.random.normal(k2, (N_NUC, EMBED_DIM), dtype=jnp.float32)
    # hk.Embed parameter table ('ElectronicEmbedding'), [n_elec_types, embedding_dim]
    table = jax.random.normal(k3, (N_ELEC_TYPES, EMBED_DIM), dtype=jnp.float32)
    # elec_types is a constructor constant: spin-up electrons type 0, spin-down type 1
    elec_types = jnp.concatenate([
        jnp.zeros(N_UP, dtype=jnp.int32),
        jnp.ones(N_DOWN, dtype=jnp.int32),
    ])
    return {
        'phys_conf': phys_conf,
        'nucleus_embedding': nucleus_embedding,
        'table': table,
        'elec_types': elec_types,
    }


def reference(phys_conf, nucleus_embedding, table, elec_types):
    # positional_embeddings is None -> the module takes the hk.Embed path:
    # x = Embed(n_elec_types, embedding_dim)(elec_types)
    # phys_conf and nucleus_embedding are unused on this path (kept for signature fidelity).
    x = jnp.take(table, elec_types, axis=0)
    return x

if __name__ == "__main__":
    import jax
    _d = setup_inputs()
    print(jax.jit(kernel)(*tuple(_d.values())))

</pallas_src>

<mosaic_0001>
#map = affine_map<(d0, d1) -> (0)>
#map1 = affine_map<(d0, d1) -> (0, 0)>
module attributes {stable_mosaic.version = 14 : i64} {
  func.func @_embed_kernel(%arg0: i32, %arg1: i32, %arg2: memref<768xf32, #tpu.memory_space<hbm>>, %arg3: memref<128x256xf32, #tpu.memory_space<hbm>>, %arg4: memref<768xf32, #tpu.memory_space<vmem>>, %arg5: memref<8x256xf32, #tpu.memory_space<vmem>>, %arg6: memref<!tpu.dma_semaphore, #tpu.memory_space<semaphore_mem>>) attributes {dimension_semantics = [#tpu.dimension_semantics<core_parallel>, #tpu.dimension_semantics<subcore_parallel>], iteration_bounds = array<i64: 1, 16>, scalar_prefetch = 0 : i64, scratch_operands = 3 : i64, tpu.core_type = #tpu.core_type<sc_vector_subcore>, window_params = [{transform_indices = #map}, {transform_indices = #map1}]} {
    %mul3A = arith.constant 1 : i32
    %mul3A_0 = arith.muli %arg1, %mul3A : i32
    %add3A = arith.addi %mul3A_0, %arg0 : i32
    tpu.enqueue_dma source(%arg2 : memref<768xf32, #tpu.memory_space<hbm>>) target(%arg4 : memref<768xf32, #tpu.memory_space<vmem>>) target_semaphore(%arg6 : memref<!tpu.dma_semaphore, #tpu.memory_space<semaphore_mem>>)
    tpu.wait_dma2 semaphore(%arg6 : memref<!tpu.dma_semaphore, #tpu.memory_space<semaphore_mem>>) src(%arg2 : memref<768xf32, #tpu.memory_space<hbm>>) dst(%arg4 : memref<768xf32, #tpu.memory_space<vmem>>)
    %mul3A_1 = arith.constant 16 : i32
    %mul3A_2 = arith.muli %add3A, %mul3A_1 : i32
    %add3A_3 = arith.constant 512 : i32
    %add3A_4 = arith.addi %add3A_3, %mul3A_2 : i32
    %get3A = arith.index_cast %add3A_4 : i32 to index
    %get3A_5 = tpu.vector_load %arg4[%get3A] {strides = array<i32>} : memref<768xf32, #tpu.memory_space<vmem>>, vector<16xf32>,
    %get3A_6 = vector.shape_cast %get3A_5 : vector<16xf32> to vector<16xf32>
    %get3A_7 = arith.constant 0 : index
    %get3A_8 = tpu.vector_load %arg4[%get3A_7] {strides = array<i32>} : memref<768xf32, #tpu.memory_space<vmem>>, vector<16xf32>,
    %get3A_9 = vector.shape_cast %get3A_8 : vector<16xf32> to vector<16xf32>
    %get3A_10 = arith.constant 256 : index
    %get3A_11 = tpu.vector_load %arg4[%get3A_10] {strides = array<i32>} : memref<768xf32, #tpu.memory_space<vmem>>, vector<16xf32>,
    %get3A_12 = vector.shape_cast %get3A_11 : vector<16xf32> to vector<16xf32>
    %sub3A = arith.subf %get3A_12, %get3A_9 : vector<16xf32>
    %slice3A = vector.extract_strided_slice %get3A_6 {offsets = [0], sizes = [1], strides = [1]} : vector<16xf32> to vector<1xf32>
    %squeeze3A = vector.extract %slice3A[0] : f32 from vector<1xf32>
    %mul3A_13 = vector.broadcast %squeeze3A : f32 to vector<16xf32>
    %mul3A_14 = arith.mulf %mul3A_13, %sub3A : vector<16xf32>
    %add3A_15 = arith.addf %get3A_9, %mul3A_14 : vector<16xf32>
    %swap3A = arith.constant 0 : i32
    %swap3A_16 = arith.index_cast %swap3A : i32 to index
    %swap3A_17 = arith.constant 0 : index
    %swap3A_18 = tpu.vector_load %arg5[%swap3A_16, %swap3A_17] {strides = array<i32>} : memref<8x256xf32, #tpu.memory_space<vmem>>, vector<1x16xf32>,
    %swap3A_19 = vector.shape_cast %swap3A_18 : vector<1x16xf32> to vector<16xf32>
    %swap3A_20 = vector.shape_cast %add3A_15 : vector<16xf32> to vector<1x16xf32>
    tpu.vector_store %arg5[%swap3A_16, %swap3A_17], %swap3A_20 {strides = array<i32>} : memref<8x256xf32, #tpu.memory_space<vmem>>, vector<1x16xf32>,
    %slice3A_21 = vector.extract_strided_slice %get3A_6 {offsets = [1], sizes = [1], strides = [1]} : vector<16xf32> to vector<1xf32>
    %squeeze3A_22 = vector.extract %slice3A_21[0] : f32 from vector<1xf32>
    %mul3A_23 = vector.broadcast %squeeze3A_22 : f32 to vector<16xf32>
    %mul3A_24 = arith.mulf %mul3A_23, %sub3A : vector<16xf32>
    %add3A_25 = arith.addf %get3A_9, %mul3A_24 : vector<16xf32>
    %swap3A_26 = arith.constant 1 : i32
    %swap3A_27 = arith.index_cast %swap3A_26 : i32 to index
    %swap3A_28 = arith.constant 0 : index
    %swap3A_29 = tpu.vector_load %arg5[%swap3A_27, %swap3A_28] {strides = array<i32>} : memref<8x256xf32, #tpu.memory_space<vmem>>, vector<1x16xf32>,
    %swap3A_30 = vector.shape_cast %swap3A_29 : vector<1x16xf32> to vector<16xf32>
    %swap3A_31 = vector.shape_cast %add3A_25 : vector<16xf32> to vector<1x16xf32>
    tpu.vector_store %arg5[%swap3A_27, %swap3A_28], %swap3A_31 {strides = array<i32>} : memref<8x256xf32, #tpu.memory_space<vmem>>, vector<1x16xf32>,
    %slice3A_32 = vector.extract_strided_slice %get3A_6 {offsets = [2], sizes = [1], strides = [1]} : vector<16xf32> to vector<1xf32>
    %squeeze3A_33 = vector.extract %slice3A_32[0] : f32 from vector<1xf32>
    %mul3A_34 = vector.broadcast %squeeze3A_33 : f32 to vector<16xf32>
    %mul3A_35 = arith.mulf %mul3A_34, %sub3A : vector<16xf32>
    %add3A_36 = arith.addf %get3A_9, %mul3A_35 : vector<16xf32>
    %swap3A_37 = arith.constant 2 : i32
    %swap3A_38 = arith.index_cast %swap3A_37 : i32 to index
    %swap3A_39 = arith.constant 0 : index
    %swap3A_40 = tpu.vector_load %arg5[%swap3A_38, %swap3A_39] {strides = array<i32>} : memref<8x256xf32, #tpu.memory_space<vmem>>, vector<1x16xf32>,
    %swap3A_41 = vector.shape_cast %swap3A_40 : vector<1x16xf32> to vector<16xf32>
    %swap3A_42 = vector.shape_cast %add3A_36 : vector<16xf32> to vector<1x16xf32>
    tpu.vector_store %arg5[%swap3A_38, %swap3A_39], %swap3A_42 {strides = array<i32>} : memref<8x256xf32, #tpu.memory_space<vmem>>, vector<1x16xf32>,
    %slice3A_43 = vector.extract_strided_slice %get3A_6 {offsets = [3], sizes = [1], strides = [1]} : vector<16xf32> to vector<1xf32>
    %squeeze3A_44 = vector.extract %slice3A_43[0] : f32 from vector<1xf32>
    %mul3A_45 = vector.broadcast %squeeze3A_44 : f32 to vector<16xf32>
    %mul3A_46 = arith.mulf %mul3A_45, %sub3A : vector<16xf32>
    %add3A_47 = arith.addf %get3A_9, %mul3A_46 : vector<16xf32>
    %swap3A_48 = arith.constant 3 : i32
    %swap3A_49 = arith.index_cast %swap3A_48 : i32 to index
    %swap3A_50 = arith.constant 0 : index
    %swap3A_51 = tpu.vector_load %arg5[%swap3A_49, %swap3A_50] {strides = array<i32>} : memref<8x256xf32, #tpu.memory_space<vmem>>, vector<1x16xf32>,
    %swap3A_52 = vector.shape_cast %swap3A_51 : vector<1x16xf32> to vector<16xf32>
    %swap3A_53 = vector.shape_cast %add3A_47 : vector<16xf32> to vector<1x16xf32>
    tpu.vector_store %arg5[%swap3A_49, %swap3A_50], %swap3A_53 {strides = array<i32>} : memref<8x256xf32, #tpu.memory_space<vmem>>, vector<1x16xf32>,
    %slice3A_54 = vector.extract_strided_slice %get3A_6 {offsets = [4], sizes = [1], strides = [1]} : vector<16xf32> to vector<1xf32>
    %squeeze3A_55 = vector.extract %slice3A_54[0] : f32 from vector<1xf32>
    %mul3A_56 = vector.broadcast %squeeze3A_55 : f32 to vector<16xf32>
    %mul3A_57 = arith.mulf %mul3A_56, %sub3A : vector<16xf32>
    %add3A_58 = arith.addf %get3A_9, %mul3A_57 : vector<16xf32>
    %swap3A_59 = arith.constant 4 : i32
    %swap3A_60 = arith.index_cast %swap3A_59 : i32 to index
    %swap3A_61 = arith.constant 0 : index
    %swap3A_62 = tpu.vector_load %arg5[%swap3A_60, %swap3A_61] {strides = array<i32>} : memref<8x256xf32, #tpu.memory_space<vmem>>, vector<1x16xf32>,
    %swap3A_63 = vector.shape_cast %swap3A_62 : vector<1x16xf32> to vector<16xf32>
    %swap3A_64 = vector.shape_cast %add3A_58 : vector<16xf32> to vector<1x16xf32>
    tpu.vector_store %arg5[%swap3A_60, %swap3A_61], %swap3A_64 {strides = array<i32>} : memref<8x256xf32, #tpu.memory_space<vmem>>, vector<1x16xf32>,
    %slice3A_65 = vector.extract_strided_slice %get3A_6 {offsets = [5], sizes = [1], strides = [1]} : vector<16xf32> to vector<1xf32>
    %squeeze3A_66 = vector.extract %slice3A_65[0] : f32 from vector<1xf32>
    %mul3A_67 = vector.broadcast %squeeze3A_66 : f32 to vector<16xf32>
    %mul3A_68 = arith.mulf %mul3A_67, %sub3A : vector<16xf32>
    %add3A_69 = arith.addf %get3A_9, %mul3A_68 : vector<16xf32>
    %swap3A_70 = arith.constant 5 : i32
    %swap3A_71 = arith.index_cast %swap3A_70 : i32 to index
    %swap3A_72 = arith.constant 0 : index
    %swap3A_73 = tpu.vector_load %arg5[%swap3A_71, %swap3A_72] {strides = array<i32>} : memref<8x256xf32, #tpu.memory_space<vmem>>, vector<1x16xf32>,
    %swap3A_74 = vector.shape_cast %swap3A_73 : vector<1x16xf32> to vector<16xf32>
    %swap3A_75 = vector.shape_cast %add3A_69 : vector<16xf32> to vector<1x16xf32>
    tpu.vector_store %arg5[%swap3A_71, %swap3A_72], %swap3A_75 {strides = array<i32>} : memref<8x256xf32, #tpu.memory_space<vmem>>, vector<1x16xf32>,
    %slice3A_76 = vector.extract_strided_slice %get3A_6 {offsets = [6], sizes = [1], strides = [1]} : vector<16xf32> to vector<1xf32>
    %squeeze3A_77 = vector.extract %slice3A_76[0] : f32 from vector<1xf32>
    %mul3A_78 = vector.broadcast %squeeze3A_77 : f32 to vector<16xf32>
    %mul3A_79 = arith.mulf %mul3A_78, %sub3A : vector<16xf32>
    %add3A_80 = arith.addf %get3A_9, %mul3A_79 : vector<16xf32>
    %swap3A_81 = arith.constant 6 : i32
    %swap3A_82 = arith.index_cast %swap3A_81 : i32 to index
    %swap3A_83 = arith.constant 0 : index
    %swap3A_84 = tpu.vector_load %arg5[%swap3A_82, %swap3A_83] {strides = array<i32>} : memref<8x256xf32, #tpu.memory_space<vmem>>, vector<1x16xf32>,
    %swap3A_85 = vector.shape_cast %swap3A_84 : vector<1x16xf32> to vector<16xf32>
    %swap3A_86 = vector.shape_cast %add3A_80 : vector<16xf32> to vector<1x16xf32>
    tpu.vector_store %arg5[%swap3A_82, %swap3A_83], %swap3A_86 {strides = array<i32>} : memref<8x256xf32, #tpu.memory_space<vmem>>, vector<1x16xf32>,
    %slice3A_87 = vector.extract_strided_slice %get3A_6 {offsets = [7], sizes = [1], strides = [1]} : vector<16xf32> to vector<1xf32>
    %squeeze3A_88 = vector.extract %slice3A_87[0] : f32 from vector<1xf32>
    %mul3A_89 = vector.broadcast %squeeze3A_88 : f32 to vector<16xf32>
    %mul3A_90 = arith.mulf %mul3A_89, %sub3A : vector<16xf32>
    %add3A_91 = arith.addf %get3A_9, %mul3A_90 : vector<16xf32>
    %swap3A_92 = arith.constant 7 : i32
    %swap3A_93 = arith.index_cast %swap3A_92 : i32 to index
    %swap3A_94 = arith.constant 0 : index
    %swap3A_95 = tpu.vector_load %arg5[%swap3A_93, %swap3A_94] {strides = array<i32>} : memref<8x256xf32, #tpu.memory_space<vmem>>, vector<1x16xf32>,
    %swap3A_96 = vector.shape_cast %swap3A_95 : vector<1x16xf32> to vector<16xf32>
    %swap3A_97 = vector.shape_cast %add3A_91 : vector<16xf32> to vector<1x16xf32>
    tpu.vector_store %arg5[%swap3A_93, %swap3A_94], %swap3A_97 {strides = array<i32>} : memref<8x256xf32, #tpu.memory_space<vmem>>, vector<1x16xf32>,
    %get3A_98 = arith.constant 16 : index
    %get3A_99 = tpu.vector_load %arg4[%get3A_98] {strides = array<i32>} : memref<768xf32, #tpu.memory_space<vmem>>, vector<16xf32>,
    %get3A_100 = vector.shape_cast %get3A_99 : vector<16xf32> to vector<16xf32>
    %get3A_101 = arith.constant 272 : index
    %get3A_102 = tpu.vector_load %arg4[%get3A_101] {strides = array<i32>} : memref<768xf32, #tpu.memory_space<vmem>>, vector<16xf32>,
    %get3A_103 = vector.shape_cast %get3A_102 : vector<16xf32> to vector<16xf32>
    %sub3A_104 = arith.subf %get3A_103, %get3A_100 : vector<16xf32>
    %slice3A_105 = vector.extract_strided_slice %get3A_6 {offsets = [0], sizes = [1], strides = [1]} : vector<16xf32> to vector<1xf32>
    %squeeze3A_106 = vector.extract %slice3A_105[0] : f32 from vector<1xf32>
    %mul3A_107 = vector.broadcast %squeeze3A_106 : f32 to vector<16xf32>
    %mul3A_108 = arith.mulf %mul3A_107, %sub3A_104 : vector<16xf32>
    %add3A_109 = arith.addf %get3A_100, %mul3A_108 : vector<16xf32>
    %swap3A_110 = arith.constant 0 : i32
    %swap3A_111 = arith.index_cast %swap3A_110 : i32 to index
    %swap3A_112 = arith.constant 16 : index
    %swap3A_113 = tpu.vector_load %arg5[%swap3A_111, %swap3A_112] {strides = array<i32>} : memref<8x256xf32, #tpu.memory_space<vmem>>, vector<1x16xf32>,
    %swap3A_114 = vector.shape_cast %swap3A_113 : vector<1x16xf32> to vector<16xf32>
    %swap3A_115 = vector.shape_cast %add3A_109 : vector<16xf32> to vector<1x16xf32>
    tpu.vector_store %arg5[%swap3A_111, %swap3A_112], %swap3A_115 {strides = array<i32>} : memref<8x256xf32, #tpu.memory_space<vmem>>, vector<1x16xf32>,
    %slice3A_116 = vector.extract_strided_slice %get3A_6 {offsets = [1], sizes = [1], strides = [1]} : vector<16xf32> to vector<1xf32>
    %squeeze3A_117 = vector.extract %slice3A_116[0] : f32 from vector<1xf32>
    %mul3A_118 = vector.broadcast %squeeze3A_117 : f32 to vector<16xf32>
    %mul3A_119 = arith.mulf %mul3A_118, %sub3A_104 : vector<16xf32>
    %add3A_120 = arith.addf %get3A_100, %mul3A_119 : vector<16xf32>
    %swap3A_121 = arith.constant 1 : i32
    %swap3A_122 = arith.index_cast %swap3A_121 : i32 to index
    %swap3A_123 = arith.constant 16 : index
    %swap3A_124 = tpu.vector_load %arg5[%swap3A_122, %swap3A_123] {strides = array<i32>} : memref<8x256xf32, #tpu.memory_space<vmem>>, vector<1x16xf32>,
    %swap3A_125 = vector.shape_cast %swap3A_124 : vector<1x16xf32> to vector<16xf32>
    %swap3A_126 = vector.shape_cast %add3A_120 : vector<16xf32> to vector<1x16xf32>
    tpu.vector_store %arg5[%swap3A_122, %swap3A_123], %swap3A_126 {strides = array<i32>} : memref<8x256xf32, #tpu.memory_space<vmem>>, vector<1x16xf32>,
    %slice3A_127 = vector.extract_strided_slice %get3A_6 {offsets = [2], sizes = [1], strides = [1]} : vector<16xf32> to vector<1xf32>
    %squeeze3A_128 = vector.extract %slice3A_127[0] : f32 from vector<1xf32>
    %mul3A_129 = vector.broadcast %squeeze3A_128 : f32 to vector<16xf32>
    %mul3A_130 = arith.mulf %mul3A_129, %sub3A_104 : vector<16xf32>
    %add3A_131 = arith.addf %get3A_100, %mul3A_130 : vector<16xf32>
    %swap3A_132 = arith.constant 2 : i32
    %swap3A_133 = arith.index_cast %swap3A_132 : i32 to index
    %swap3A_134 = arith.constant 16 : index
    %swap3A_135 = tpu.vector_load %arg5[%swap3A_133, %swap3A_134] {strides = array<i32>} : memref<8x256xf32, #tpu.memory_space<vmem>>, vector<1x16xf32>,
    %swap3A_136 = vector.shape_cast %swap3A_135 : vector<1x16xf32> to vector<16xf32>
    %swap3A_137 = vector.shape_cast %add3A_131 : vector<16xf32> to vector<1x16xf32>
    tpu.vector_store %arg5[%swap3A_133, %swap3A_134], %swap3A_137 {strides = array<i32>} : memref<8x256xf32, #tpu.memory_space<vmem>>, vector<1x16xf32>,
    %slice3A_138 = vector.extract_strided_slice %get3A_6 {offsets = [3], sizes = [1], strides = [1]} : vector<16xf32> to vector<1xf32>
    %squeeze3A_139 = vector.extract %slice3A_138[0] : f32 from vector<1xf32>
    %mul3A_140 = vector.broadcast %squeeze3A_139 : f32 to vector<16xf32>
    %mul3A_141 = arith.mulf %mul3A_140, %sub3A_104 : vector<16xf32>
    %add3A_142 = arith.addf %get3A_100, %mul3A_141 : vector<16xf32>
    %swap3A_143 = arith.constant 3 : i32
    %swap3A_144 = arith.index_cast %swap3A_143 : i32 to index
    %swap3A_145 = arith.constant 16 : index
    %swap3A_146 = tpu.vector_load %arg5[%swap3A_144, %swap3A_145] {strides = array<i32>} : memref<8x256xf32, #tpu.memory_space<vmem>>, vector<1x16xf32>,
    %swap3A_147 = vector.shape_cast %swap3A_146 : vector<1x16xf32> to vector<16xf32>
    %swap3A_148 = vector.shape_cast %add3A_142 : vector<16xf32> to vector<1x16xf32>
    tpu.vector_store %arg5[%swap3A_144, %swap3A_145], %swap3A_148 {strides = array<i32>} : memref<8x256xf32, #tpu.memory_space<vmem>>, vector<1x16xf32>,
    %slice3A_149 = vector.extract_strided_slice %get3A_6 {offsets = [4], sizes = [1], strides = [1]} : vector<16xf32> to vector<1xf32>
    %squeeze3A_150 = vector.extract %slice3A_149[0] : f32 from vector<1xf32>
    %mul3A_151 = vector.broadcast %squeeze3A_150 : f32 to vector<16xf32>
    %mul3A_152 = arith.mulf %mul3A_151, %sub3A_104 : vector<16xf32>
    %add3A_153 = arith.addf %get3A_100, %mul3A_152 : vector<16xf32>
    %swap3A_154 = arith.constant 4 : i32
    %swap3A_155 = arith.index_cast %swap3A_154 : i32 to index
    %swap3A_156 = arith.constant 16 : index
    %swap3A_157 = tpu.vector_load %arg5[%swap3A_155, %swap3A_156] {strides = array<i32>} : memref<8x256xf32, #tpu.memory_space<vmem>>, vector<1x16xf32>,
    %swap3A_158 = vector.shape_cast %swap3A_157 : vector<1x16xf32> to vector<16xf32>
    %swap3A_159 = vector.shape_cast %add3A_153 : vector<16xf32> to vector<1x16xf32>
    tpu.vector_store %arg5[%swap3A_155, %swap3A_156], %swap3A_159 {strides = array<i32>} : memref<8x256xf32, #tpu.memory_space<vmem>>, vector<1x16xf32>,
    %slice3A_160 = vector.extract_strided_slice %get3A_6 {offsets = [5], sizes = [1], strides = [1]} : vector<16xf32> to vector<1xf32>
    %squeeze3A_161 = vector.extract %slice3A_160[0] : f32 from vector<1xf32>
    %mul3A_162 = vector.broadcast %squeeze3A_161 : f32 to vector<16xf32>
    %mul3A_163 = arith.mulf %mul3A_162, %sub3A_104 : vector<16xf32>
    %add3A_164 = arith.addf %get3A_100, %mul3A_163 : vector<16xf32>
    %swap3A_165 = arith.constant 5 : i32
    %swap3A_166 = arith.index_cast %swap3A_165 : i32 to index
    %swap3A_167 = arith.constant 16 : index
    %swap3A_168 = tpu.vector_load %arg5[%swap3A_166, %swap3A_167] {strides = array<i32>} : memref<8x256xf32, #tpu.memory_space<vmem>>, vector<1x16xf32>,
    %swap3A_169 = vector.shape_cast %swap3A_168 : vector<1x16xf32> to vector<16xf32>
    %swap3A_170 = vector.shape_cast %add3A_164 : vector<16xf32> to vector<1x16xf32>
    tpu.vector_store %arg5[%swap3A_166, %swap3A_167], %swap3A_170 {strides = array<i32>} : memref<8x256xf32, #tpu.memory_space<vmem>>, vector<1x16xf32>,
    %slice3A_171 = vector.extract_strided_slice %get3A_6 {offsets = [6], sizes = [1], strides = [1]} : vector<16xf32> to vector<1xf32>
    %squeeze3A_172 = vector.extract %slice3A_171[0] : f32 from vector<1xf32>
    %mul3A_173 = vector.broadcast %squeeze3A_172 : f32 to vector<16xf32>
    %mul3A_174 = arith.mulf %mul3A_173, %sub3A_104 : vector<16xf32>
    %add3A_175 = arith.addf %get3A_100, %mul3A_174 : vector<16xf32>
    %swap3A_176 = arith.constant 6 : i32
    %swap3A_177 = arith.index_cast %swap3A_176 : i32 to index
    %swap3A_178 = arith.constant 16 : index
    %swap3A_179 = tpu.vector_load %arg5[%swap3A_177, %swap3A_178] {strides = array<i32>} : memref<8x256xf32, #tpu.memory_space<vmem>>, vector<1x16xf32>,
    %swap3A_180 = vector.shape_cast %swap3A_179 : vector<1x16xf32> to vector<16xf32>
    %swap3A_181 = vector.shape_cast %add3A_175 : vector<16xf32> to vector<1x16xf32>
    tpu.vector_store %arg5[%swap3A_177, %swap3A_178], %swap3A_181 {strides = array<i32>} : memref<8x256xf32, #tpu.memory_space<vmem>>, vector<1x16xf32>,
    %slice3A_182 = vector.extract_strided_slice %get3A_6 {offsets = [7], sizes = [1], strides = [1]} : vector<16xf32> to vector<1xf32>
    %squeeze3A_183 = vector.extract %slice3A_182[0] : f32 from vector<1xf32>
    %mul3A_184 = vector.broadcast %squeeze3A_183 : f32 to vector<16xf32>
    %mul3A_185 = arith.mulf %mul3A_184, %sub3A_104 : vector<16xf32>
    %add3A_186 = arith.addf %get3A_100, %mul3A_185 : vector<16xf32>
    %swap3A_187 = arith.constant 7 : i32
    %swap3A_188 = arith.index_cast %swap3A_187 : i32 to index
    %swap3A_189 = arith.constant 16 : index
    %swap3A_190 = tpu.vector_load %arg5[%swap3A_188, %swap3A_189] {strides = array<i32>} : memref<8x256xf32, #tpu.memory_space<vmem>>, vector<1x16xf32>,
    %swap3A_191 = vector.shape_cast %swap3A_190 : vector<1x16xf32> to vector<16xf32>
    %swap3A_192 = vector.shape_cast %add3A_186 : vector<16xf32> to vector<1x16xf32>
    tpu.vector_store %arg5[%swap3A_188, %swap3A_189], %swap3A_192 {strides = array<i32>} : memref<8x256xf32, #tpu.memory_space<vmem>>, vector<1x16xf32>,
    %get3A_193 = arith.constant 32 : index
    %get3A_194 = tpu.vector_load %arg4[%get3A_193] {strides = array<i32>} : memref<768xf32, #tpu.memory_space<vmem>>, vector<16xf32>,
    %get3A_195 = vector.shape_cast %get3A_194 : vector<16xf32> to vector<16xf32>
    %get3A_196 = arith.constant 288 : index
    %get3A_197 = tpu.vector_load %arg4[%get3A_196] {strides = array<i32>} : memref<768xf32, #tpu.memory_space<vmem>>, vector<16xf32>,
    %get3A_198 = vector.shape_cast %get3A_197 : vector<16xf32> to vector<16xf32>
    %sub3A_199 = arith.subf %get3A_198, %get3A_195 : vector<16xf32>
    %slice3A_200 = vector.extract_strided_slice %get3A_6 {offsets = [0], sizes = [1], strides = [1]} : vector<16xf32> to vector<1xf32>
    %squeeze3A_201 = vector.extract %slice3A_200[0] : f32 from vector<1xf32>
    %mul3A_202 = vector.broadcast %squeeze3A_201 : f32 to vector<16xf32>
    %mul3A_203 = arith.mulf %mul3A_202, %sub3A_199 : vector<16xf32>
    %add3A_204 = arith.addf %get3A_195, %mul3A_203 : vector<16xf32>
    %swap3A_205 = arith.constant 0 : i32
    %swap3A_206 = arith.index_cast %swap3A_205 : i32 to index
    %swap3A_207 = arith.constant 32 : index
    %swap3A_208 = tpu.vector_load %arg5[%swap3A_206, %swap3A_207] {strides = array<i32>} : memref<8x256xf32, #tpu.memory_space<vmem>>, vector<1x16xf32>,
    %swap3A_209 = vector.shape_cast %swap3A_208 : vector<1x16xf32> to vector<16xf32>
    %swap3A_210 = vector.shape_cast %add3A_204 : vector<16xf32> to vector<1x16xf32>
    tpu.vector_store %arg5[%swap3A_206, %swap3A_207], %swap3A_210 {strides = array<i32>} : memref<8x256xf32, #tpu.memory_space<vmem>>, vector<1x16xf32>,
    %slice3A_211 = vector.extract_strided_slice %get3A_6 {offsets = [1], sizes = [1], strides = [1]} : vector<16xf32> to vector<1xf32>
    %squeeze3A_212 = vector.extract %slice3A_211[0] : f32 from vector<1xf32>
    %mul3A_213 = vector.broadcast %squeeze3A_212 : f32 to vector<16xf32>
    %mul3A_214 = arith.mulf %mul3A_213, %sub3A_199 : vector<16xf32>
    %add3A_215 = arith.addf %get3A_195, %mul3A_214 : vector<16xf32>
    %swap3A_216 = arith.constant 1 : i32
    %swap3A_217 = arith.index_cast %swap3A_216 : i32 to index
    %swap3A_218 = arith.constant 32 : index
    %swap3A_219 = tpu.vector_load %arg5[%swap3A_217, %swap3A_218] {strides = array<i32>} : memref<8x256xf32, #tpu.memory_space<vmem>>, vector<1x16xf32>,
    %swap3A_220 = vector.shape_cast %swap3A_219 : vector<1x16xf32> to vector<16xf32>
    %swap3A_221 = vector.shape_cast %add3A_215 : vector<16xf32> to vector<1x16xf32>
    tpu.vector_store %arg5[%swap3A_217, %swap3A_218], %swap3A_221 {strides = array<i32>} : memref<8x256xf32, #tpu.memory_space<vmem>>, vector<1x16xf32>,
    %slice3A_222 = vector.extract_strided_slice %get3A_6 {offsets = [2], sizes = [1], strides = [1]} : vector<16xf32> to vector<1xf32>
    %squeeze3A_223 = vector.extract %slice3A_222[0] : f32 from vector<1xf32>
    %mul3A_224 = vector.broadcast %squeeze3A_223 : f32 to vector<16xf32>
    %mul3A_225 = arith.mulf %mul3A_224, %sub3A_199 : vector<16xf32>
    %add3A_226 = arith.addf %get3A_195, %mul3A_225 : vector<16xf32>
    %swap3A_227 = arith.constant 2 : i32
    %swap3A_228 = arith.index_cast %swap3A_227 : i32 to index
    %swap3A_229 = arith.constant 32 : index
    %swap3A_230 = tpu.vector_load %arg5[%swap3A_228, %swap3A_229] {strides = array<i32>} : memref<8x256xf32, #tpu.memory_space<vmem>>, vector<1x16xf32>,
    %swap3A_231 = vector.shape_cast %swap3A_230 : vector<1x16xf32> to vector<16xf32>
    %swap3A_232 = vector.shape_cast %add3A_226 : vector<16xf32> to vector<1x16xf32>
    tpu.vector_store %arg5[%swap3A_228, %swap3A_229], %swap3A_232 {strides = array<i32>} : memref<8x256xf32, #tpu.memory_space<vmem>>, vector<1x16xf32>,
    %slice3A_233 = vector.extract_strided_slice %get3A_6 {offsets = [3], sizes = [1], strides = [1]} : vector<16xf32> to vector<1xf32>
    %squeeze3A_234 = vector.extract %slice3A_233[0] : f32 from vector<1xf32>
    %mul3A_235 = vector.broadcast %squeeze3A_234 : f32 to vector<16xf32>
    %mul3A_236 = arith.mulf %mul3A_235, %sub3A_199 : vector<16xf32>
    %add3A_237 = arith.addf %get3A_195, %mul3A_236 : vector<16xf32>
    %swap3A_238 = arith.constant 3 : i32
    %swap3A_239 = arith.index_cast %swap3A_238 : i32 to index
    %swap3A_240 = arith.constant 32 : index
    %swap3A_241 = tpu.vector_load %arg5[%swap3A_239, %swap3A_240] {strides = array<i32>} : memref<8x256xf32, #tpu.memory_space<vmem>>, vector<1x16xf32>,
    %swap3A_242 = vector.shape_cast %swap3A_241 : vector<1x16xf32> to vector<16xf32>
    %swap3A_243 = vector.shape_cast %add3A_237 : vector<16xf32> to vector<1x16xf32>
    tpu.vector_store %arg5[%swap3A_239, %swap3A_240], %swap3A_243 {strides = array<i32>} : memref<8x256xf32, #tpu.memory_space<vmem>>, vector<1x16xf32>,
    %slice3A_244 = vector.extract_strided_slice %get3A_6 {offsets = [4], sizes = [1], strides = [1]} : vector<16xf32> to vector<1xf32>
    %squeeze3A_245 = vector.extract %slice3A_244[0] : f32 from vector<1xf32>
    %mul3A_246 = vector.broadcast %squeeze3A_245 : f32 to vector<16xf32>
    %mul3A_247 = arith.mulf %mul3A_246, %sub3A_199 : vector<16xf32>
    %add3A_248 = arith.addf %get3A_195, %mul3A_247 : vector<16xf32>
    %swap3A_249 = arith.constant 4 : i32
    %swap3A_250 = arith.index_cast %swap3A_249 : i32 to index
    %swap3A_251 = arith.constant 32 : index
    %swap3A_252 = tpu.vector_load %arg5[%swap3A_250, %swap3A_251] {strides = array<i32>} : memref<8x256xf32, #tpu.memory_space<vmem>>, vector<1x16xf32>,
    %swap3A_253 = vector.shape_cast %swap3A_252 : vector<1x16xf32> to vector<16xf32>
    %swap3A_254 = vector.shape_cast %add3A_248 : vector<16xf32> to vector<1x16xf32>
    tpu.vector_store %arg5[%swap3A_250, %swap3A_251], %swap3A_254 {strides = array<i32>} : memref<8x256xf32, #tpu.memory_space<vmem>>, vector<1x16xf32>,
    %slice3A_255 = vector.extract_strided_slice %get3A_6 {offsets = [5], sizes = [1], strides = [1]} : vector<16xf32> to vector<1xf32>
    %squeeze3A_256 = vector.extract %slice3A_255[0] : f32 from vector<1xf32>
    %mul3A_257 = vector.broadcast %squeeze3A_256 : f32 to vector<16xf32>
    %mul3A_258 = arith.mulf %mul3A_257, %sub3A_199 : vector<16xf32>
    %add3A_259 = arith.addf %get3A_195, %mul3A_258 : vector<16xf32>
    %swap3A_260 = arith.constant 5 : i32
    %swap3A_261 = arith.index_cast %swap3A_260 : i32 to index
    %swap3A_262 = arith.constant 32 : index
    %swap3A_263 = tpu.vector_load %arg5[%swap3A_261, %swap3A_262] {strides = array<i32>} : memref<8x256xf32, #tpu.memory_space<vmem>>, vector<1x16xf32>,
    %swap3A_264 = vector.shape_cast %swap3A_263 : vector<1x16xf32> to vector<16xf32>
    %swap3A_265 = vector.shape_cast %add3A_259 : vector<16xf32> to vector<1x16xf32>
    tpu.vector_store %arg5[%swap3A_261, %swap3A_262], %swap3A_265 {strides = array<i32>} : memref<8x256xf32, #tpu.memory_space<vmem>>, vector<1x16xf32>,
    %slice3A_266 = vector.extract_strided_slice %get3A_6 {offsets = [6], sizes = [1], strides = [1]} : vector<16xf32> to vector<1xf32>
    %squeeze3A_267 = vector.extract %slice3A_266[0] : f32 from vector<1xf32>
    %mul3A_268 = vector.broadcast %squeeze3A_267 : f32 to vector<16xf32>
    %mul3A_269 = arith.mulf %mul3A_268, %sub3A_199 : vector<16xf32>
    %add3A_270 = arith.addf %get3A_195, %mul3A_269 : vector<16xf32>
    %swap3A_271 = arith.constant 6 : i32
    %swap3A_272 = arith.index_cast %swap3A_271 : i32 to index
    %swap3A_273 = arith.constant 32 : index
    %swap3A_274 = tpu.vector_load %arg5[%swap3A_272, %swap3A_273] {strides = array<i32>} : memref<8x256xf32, #tpu.memory_space<vmem>>, vector<1x16xf32>,
    %swap3A_275 = vector.shape_cast %swap3A_274 : vector<1x16xf32> to vector<16xf32>
    %swap3A_276 = vector.shape_cast %add3A_270 : vector<16xf32> to vector<1x16xf32>
    tpu.vector_store %arg5[%swap3A_272, %swap3A_273], %swap3A_276 {strides = array<i32>} : memref<8x256xf32, #tpu.memory_space<vmem>>, vector<1x16xf32>,
    %slice3A_277 = vector.extract_strided_slice %get3A_6 {offsets = [7], sizes = [1], strides = [1]} : vector<16xf32> to vector<1xf32>
    %squeeze3A_278 = vector.extract %slice3A_277[0] : f32 from vector<1xf32>
    %mul3A_279 = vector.broadcast %squeeze3A_278 : f32 to vector<16xf32>
    %mul3A_280 = arith.mulf %mul3A_279, %sub3A_199 : vector<16xf32>
    %add3A_281 = arith.addf %get3A_195, %mul3A_280 : vector<16xf32>
    %swap3A_282 = arith.constant 7 : i32
    %swap3A_283 = arith.index_cast %swap3A_282 : i32 to index
    %swap3A_284 = arith.constant 32 : index
    %swap3A_285 = tpu.vector_load %arg5[%swap3A_283, %swap3A_284] {strides = array<i32>} : memref<8x256xf32, #tpu.memory_space<vmem>>, vector<1x16xf32>,
    %swap3A_286 = vector.shape_cast %swap3A_285 : vector<1x16xf32> to vector<16xf32>
    %swap3A_287 = vector.shape_cast %add3A_281 : vector<16xf32> to vector<1x16xf32>
    tpu.vector_store %arg5[%swap3A_283, %swap3A_284], %swap3A_287 {strides = array<i32>} : memref<8x256xf32, #tpu.memory_space<vmem>>, vector<1x16xf32>,
    %get3A_288 = arith.constant 48 : index
    %get3A_289 = tpu.vector_load %arg4[%get3A_288] {strides = array<i32>} : memref<768xf32, #tpu.memory_space<vmem>>, vector<16xf32>,
    %get3A_290 = vector.shape_cast %get3A_289 : vector<16xf32> to vector<16xf32>
    %get3A_291 = arith.constant 304 : index
    %get3A_292 = tpu.vector_load %arg4[%get3A_291] {strides = array<i32>} : memref<768xf32, #tpu.memory_space<vmem>>, vector<16xf32>,
    %get3A_293 = vector.shape_cast %get3A_292 : vector<16xf32> to vector<16xf32>
    %sub3A_294 = arith.subf %get3A_293, %get3A_290 : vector<16xf32>
    %slice3A_295 = vector.extract_strided_slice %get3A_6 {offsets = [0], sizes = [1], strides = [1]} : vector<16xf32> to vector<1xf32>
    %squeeze3A_296 = vector.extract %slice3A_295[0] : f32 from vector<1xf32>
    %mul3A_297 = vector.broadcast %squeeze3A_296 : f32 to vector<16xf32>
    %mul3A_298 = arith.mulf %mul3A_297, %sub3A_294 : vector<16xf32>
    %add3A_299 = arith.addf %get3A_290, %mul3A_298 : vector<16xf32>
    %swap3A_300 = arith.constant 0 : i32
    %swap3A_301 = arith.index_cast %swap3A_300 : i32 to index
    %swap3A_302 = arith.constant 48 : index
    %swap3A_303 = tpu.vector_load %arg5[%swap3A_301, %swap3A_302] {strides = array<i32>} : memref<8x256xf32, #tpu.memory_space<vmem>>, vector<1x16xf32>,
    %swap3A_304 = vector.shape_cast %swap3A_303 : vector<1x16xf32> to vector<16xf32>
    %swap3A_305 = vector.shape_cast %add3A_299 : vector<16xf32> to vector<1x16xf32>
    tpu.vector_store %arg5[%swap3A_301, %swap3A_302], %swap3A_305 {strides = array<i32>} : memref<8x256xf32, #tpu.memory_space<vmem>>, vector<1x16xf32>,
    %slice3A_306 = vector.extract_strided_slice %get3A_6 {offsets = [1], sizes = [1], strides = [1]} : vector<16xf32> to vector<1xf32>
    %squeeze3A_307 = vector.extract %slice3A_306[0] : f32 from vector<1xf32>
    %mul3A_308 = vector.broadcast %squeeze3A_307 : f32 to vector<16xf32>
    %mul3A_309 = arith.mulf %mul3A_308, %sub3A_294 : vector<16xf32>
    %add3A_310 = arith.addf %get3A_290, %mul3A_309 : vector<16xf32>
    %swap3A_311 = arith.constant 1 : i32
    %swap3A_312 = arith.index_cast %swap3A_311 : i32 to index
    %swap3A_313 = arith.constant 48 : index
    %swap3A_314 = tpu.vector_load %arg5[%swap3A_312, %swap3A_313] {strides = array<i32>} : memref<8x256xf32, #tpu.memory_space<vmem>>, vector<1x16xf32>,
    %swap3A_315 = vector.shape_cast %swap3A_314 : vector<1x16xf32> to vector<16xf32>
    %swap3A_316 = vector.shape_cast %add3A_310 : vector<16xf32> to vector<1x16xf32>
    tpu.vector_store %arg5[%swap3A_312, %swap3A_313], %swap3A_316 {strides = array<i32>} : memref<8x256xf32, #tpu.memory_space<vmem>>, vector<1x16xf32>,
    %slice3A_317 = vector.extract_strided_slice %get3A_6 {offsets = [2], sizes = [1], strides = [1]} : vector<16xf32> to vector<1xf32>
    %squeeze3A_318 = vector.extract %slice3A_317[0] : f32 from vector<1xf32>
    %mul3A_319 = vector.broadcast %squeeze3A_318 : f32 to vector<16xf32>
    %mul3A_320 = arith.mulf %mul3A_319, %sub3A_294 : vector<16xf32>
    %add3A_321 = arith.addf %get3A_290, %mul3A_320 : vector<16xf32>
    %swap3A_322 = arith.constant 2 : i32
    %swap3A_323 = arith.index_cast %swap3A_322 : i32 to index
    %swap3A_324 = arith.constant 48 : index
    %swap3A_325 = tpu.vector_load %arg5[%swap3A_323, %swap3A_324] {strides = array<i32>} : memref<8x256xf32, #tpu.memory_space<vmem>>, vector<1x16xf32>,
    %swap3A_326 = vector.shape_cast %swap3A_325 : vector<1x16xf32> to vector<16xf32>
    %swap3A_327 = vector.shape_cast %add3A_321 : vector<16xf32> to vector<1x16xf32>
    tpu.vector_store %arg5[%swap3A_323, %swap3A_324], %swap3A_327 {strides = array<i32>} : memref<8x256xf32, #tpu.memory_space<vmem>>, vector<1x16xf32>,
    %slice3A_328 = vector.extract_strided_slice %get3A_6 {offsets = [3], sizes = [1], strides = [1]} : vector<16xf32> to vector<1xf32>
    %squeeze3A_329 = vector.extract %slice3A_328[0] : f32 from vector<1xf32>
    %mul3A_330 = vector.broadcast %squeeze3A_329 : f32 to vector<16xf32>
    %mul3A_331 = arith.mulf %mul3A_330, %sub3A_294 : vector<16xf32>
    %add3A_332 = arith.addf %get3A_290, %mul3A_331 : vector<16xf32>
    %swap3A_333 = arith.constant 3 : i32
    %swap3A_334 = arith.index_cast %swap3A_333 : i32 to index
    %swap3A_335 = arith.constant 48 : index
    %swap3A_336 = tpu.vector_load %arg5[%swap3A_334, %swap3A_335] {strides = array<i32>} : memref<8x256xf32, #tpu.memory_space<vmem>>, vector<1x16xf32>,
    %swap3A_337 = vector.shape_cast %swap3A_336 : vector<1x16xf32> to vector<16xf32>
    %swap3A_338 = vector.shape_cast %add3A_332 : vector<16xf32> to vector<1x16xf32>
    tpu.vector_store %arg5[%swap3A_334, %swap3A_335], %swap3A_338 {strides = array<i32>} : memref<8x256xf32, #tpu.memory_space<vmem>>, vector<1x16xf32>,
    %slice3A_339 = vector.extract_strided_slice %get3A_6 {offsets = [4], sizes = [1], strides = [1]} : vector<16xf32> to vector<1xf32>
    %squeeze3A_340 = vector.extract %slice3A_339[0] : f32 from vector<1xf32>
    %mul3A_341 = vector.broadcast %squeeze3A_340 : f32 to vector<16xf32>
    %mul3A_342 = arith.mulf %mul3A_341, %sub3A_294 : vector<16xf32>
    %add3A_343 = arith.addf %get3A_290, %mul3A_342 : vector<16xf32>
    %swap3A_344 = arith.constant 4 : i32
    %swap3A_345 = arith.index_cast %swap3A_344 : i32 to index
    %swap3A_346 = arith.constant 48 : index
    %swap3A_347 = tpu.vector_load %arg5[%swap3A_345, %swap3A_346] {strides = array<i32>} : memref<8x256xf32, #tpu.memory_space<vmem>>, vector<1x16xf32>,
    %swap3A_348 = vector.shape_cast %swap3A_347 : vector<1x16xf32> to vector<16xf32>
    %swap3A_349 = vector.shape_cast %add3A_343 : vector<16xf32> to vector<1x16xf32>
    tpu.vector_store %arg5[%swap3A_345, %swap3A_346], %swap3A_349 {strides = array<i32>} : memref<8x256xf32, #tpu.memory_space<vmem>>, vector<1x16xf32>,
    %slice3A_350 = vector.extract_strided_slice %get3A_6 {offsets = [5], sizes = [1], strides = [1]} : vector<16xf32> to vector<1xf32>
    %squeeze3A_351 = vector.extract %slice3A_350[0] : f32 from vector<1xf32>
    %mul3A_352 = vector.broadcast %squeeze3A_351 : f32 to vector<16xf32>
    %mul3A_353 = arith.mulf %mul3A_352, %sub3A_294 : vector<16xf32>
    %add3A_354 = arith.addf %get3A_290, %mul3A_353 : vector<16xf32>
    %swap3A_355 = arith.constant 5 : i32
    %swap3A_356 = arith.index_cast %swap3A_355 : i32 to index
    %swap3A_357 = arith.constant 48 : index
    %swap3A_358 = tpu.vector_load %arg5[%swap3A_356, %swap3A_357] {strides = array<i32>} : memref<8x256xf32, #tpu.memory_space<vmem>>, vector<1x16xf32>,
    %swap3A_359 = vector.shape_cast %swap3A_358 : vector<1x16xf32> to vector<16xf32>
    %swap3A_360 = vector.shape_cast %add3A_354 : vector<16xf32> to vector<1x16xf32>
    tpu.vector_store %arg5[%swap3A_356, %swap3A_357], %swap3A_360 {strides = array<i32>} : memref<8x256xf32, #tpu.memory_space<vmem>>, vector<1x16xf32>,
    %slice3A_361 = vector.extract_strided_slice %get3A_6 {offsets = [6], sizes = [1], strides = [1]} : vector<16xf32> to vector<1xf32>
    %squeeze3A_362 = vector.extract %slice3A_361[0] : f32 from vector<1xf32>
    %mul3A_363 = vector.broadcast %squeeze3A_362 : f32 to vector<16xf32>
    %mul3A_364 = arith.mulf %mul3A_363, %sub3A_294 : vector<16xf32>
    %add3A_365 = arith.addf %get3A_290, %mul3A_364 : vector<16xf32>
    %swap3A_366 = arith.constant 6 : i32
    %swap3A_367 = arith.index_cast %swap3A_366 : i32 to index
    %swap3A_368 = arith.constant 48 : index
    %swap3A_369 = tpu.vector_load %arg5[%swap3A_367, %swap3A_368] {strides = array<i32>} : memref<8x256xf32, #tpu.memory_space<vmem>>, vector<1x16xf32>,
    %swap3A_370 = vector.shape_cast %swap3A_369 : vector<1x16xf32> to vector<16xf32>
    %swap3A_371 = vector.shape_cast %add3A_365 : vector<16xf32> to vector<1x16xf32>
    tpu.vector_store %arg5[%swap3A_367, %swap3A_368], %swap3A_371 {strides = array<i32>} : memref<8x256xf32, #tpu.memory_space<vmem>>, vector<1x16xf32>,
    %slice3A_372 = vector.extract_strided_slice %get3A_6 {offsets = [7], sizes = [1], strides = [1]} : vector<16xf32> to vector<1xf32>
    %squeeze3A_373 = vector.extract %slice3A_372[0] : f32 from vector<1xf32>
    %mul3A_374 = vector.broadcast %squeeze3A_373 : f32 to vector<16xf32>
    %mul3A_375 = arith.mulf %mul3A_374, %sub3A_294 : vector<16xf32>
    %add3A_376 = arith.addf %get3A_290, %mul3A_375 : vector<16xf32>
    %swap3A_377 = arith.constant 7 : i32
    %swap3A_378 = arith.index_cast %swap3A_377 : i32 to index
    %swap3A_379 = arith.constant 48 : index
    %swap3A_380 = tpu.vector_load %arg5[%swap3A_378, %swap3A_379] {strides = array<i32>} : memref<8x256xf32, #tpu.memory_space<vmem>>, vector<1x16xf32>,
    %swap3A_381 = vector.shape_cast %swap3A_380 : vector<1x16xf32> to vector<16xf32>
    %swap3A_382 = vector.shape_cast %add3A_376 : vector<16xf32> to vector<1x16xf32>
    tpu.vector_store %arg5[%swap3A_378, %swap3A_379], %swap3A_382 {strides = array<i32>} : memref<8x256xf32, #tpu.memory_space<vmem>>, vector<1x16xf32>,
    %get3A_383 = arith.constant 64 : index
    %get3A_384 = tpu.vector_load %arg4[%get3A_383] {strides = array<i32>} : memref<768xf32, #tpu.memory_space<vmem>>, vector<16xf32>,
    %get3A_385 = vector.shape_cast %get3A_384 : vector<16xf32> to vector<16xf32>
    %get3A_386 = arith.constant 320 : index
    %get3A_387 = tpu.vector_load %arg4[%get3A_386] {strides = array<i32>} : memref<768xf32, #tpu.memory_space<vmem>>, vector<16xf32>,
    %get3A_388 = vector.shape_cast %get3A_387 : vector<16xf32> to vector<16xf32>
    %sub3A_389 = arith.subf %get3A_388, %get3A_385 : vector<16xf32>
    %slice3A_390 = vector.extract_strided_slice %get3A_6 {offsets = [0], sizes = [1], strides = [1]} : vector<16xf32> to vector<1xf32>
    %squeeze3A_391 = vector.extract %slice3A_390[0] : f32 from vector<1xf32>
    %mul3A_392 = vector.broadcast %squeeze3A_391 : f32 to vector<16xf32>
    %mul3A_393 = arith.mulf %mul3A_392, %sub3A_389 : vector<16xf32>
    %add3A_394 = arith.addf %get3A_385, %mul3A_393 : vector<16xf32>
    %swap3A_395 = arith.constant 0 : i32
    %swap3A_396 = arith.index_cast %swap3A_395 : i32 to index
    %swap3A_397 = arith.constant 64 : index
    %swap3A_398 = tpu.vector_load %arg5[%swap3A_396, %swap3A_397] {strides = array<i32>} : memref<8x256xf32, #tpu.memory_space<vmem>>, vector<1x16xf32>,
    %swap3A_399 = vector.shape_cast %swap3A_398 : vector<1x16xf32> to vector<16xf32>
    %swap3A_400 = vector.shape_cast %add3A_394 : vector<16xf32> to vector<1x16xf32>
    tpu.vector_store %arg5[%swap3A_396, %swap3A_397], %swap3A_400 {strides = array<i32>} : memref<8x256xf32, #tpu.memory_space<vmem>>, vector<1x16xf32>,
    %slice3A_401 = vector.extract_strided_slice %get3A_6 {offsets = [1], sizes = [1], strides = [1]} : vector<16xf32> to vector<1xf32>
    %squeeze3A_402 = vector.extract %slice3A_401[0] : f32 from vector<1xf32>
    %mul3A_403 = vector.broadcast %squeeze3A_402 : f32 to vector<16xf32>
    %mul3A_404 = arith.mulf %mul3A_403, %sub3A_389 : vector<16xf32>
    %add3A_405 = arith.addf %get3A_385, %mul3A_404 : vector<16xf32>
    %swap3A_406 = arith.constant 1 : i32
    %swap3A_407 = arith.index_cast %swap3A_406 : i32 to index
    %swap3A_408 = arith.constant 64 : index
    %swap3A_409 = tpu.vector_load %arg5[%swap3A_407, %swap3A_408] {strides = array<i32>} : memref<8x256xf32, #tpu.memory_space<vmem>>, vector<1x16xf32>,
    %swap3A_410 = vector.shape_cast %swap3A_409 : vector<1x16xf32> to vector<16xf32>
    %swap3A_411 = vector.shape_cast %add3A_405 : vector<16xf32> to vector<1x16xf32>
    tpu.vector_store %arg5[%swap3A_407, %swap3A_408], %swap3A_411 {strides = array<i32>} : memref<8x256xf32, #tpu.memory_space<vmem>>, vector<1x16xf32>,
    %slice3A_412 = vector.extract_strided_slice %get3A_6 {offsets = [2], sizes = [1], strides = [1]} : vector<16xf32> to vector<1xf32>
    %squeeze3A_413 = vector.extract %slice3A_412[0] : f32 from vector<1xf32>
    %mul3A_414 = vector.broadcast %squeeze3A_413 : f32 to vector<16xf32>
    %mul3A_415 = arith.mulf %mul3A_414, %sub3A_389 : vector<16xf32>
    %add3A_416 = arith.addf %get3A_385, %mul3A_415 : vector<16xf32>
    %swap3A_417 = arith.constant 2 : i32
    %swap3A_418 = arith.index_cast %swap3A_417 : i32 to index
    %swap3A_419 = arith.constant 64 : index
    %swap3A_420 = tpu.vector_load %arg5[%swap3A_418, %swap3A_419] {strides = array<i32>} : memref<8x256xf32, #tpu.memory_space<vmem>>, vector<1x16xf32>,
    %swap3A_421 = vector.shape_cast %swap3A_420 : vector<1x16xf32> to vector<16xf32>
    %swap3A_422 = vector.shape_cast %add3A_416 : vector<16xf32> to vector<1x16xf32>
    tpu.vector_store %arg5[%swap3A_418, %swap3A_419], %swap3A_422 {strides = array<i32>} : memref<8x256xf32, #tpu.memory_space<vmem>>, vector<1x16xf32>,
    %slice3A_423 = vector.extract_strided_slice %get3A_6 {offsets = [3], sizes = [1], strides = [1]} : vector<16xf32> to vector<1xf32>
    %squeeze3A_424 = vector.extract %slice3A_423[0] : f32 from vector<1xf32>
    %mul3A_425 = vector.broadcast %squeeze3A_424 : f32 to vector<16xf32>
    %mul3A_426 = arith.mulf %mul3A_425, %sub3A_389 : vector<16xf32>
    %add3A_427 = arith.addf %get3A_385, %mul3A_426 : vector<16xf32>
    %swap3A_428 = arith.constant 3 : i32
    %swap3A_429 = arith.index_cast %swap3A_428 : i32 to index
    %swap3A_430 = arith.constant 64 : index
    %swap3A_431 = tpu.vector_load %arg5[%swap3A_429, %swap3A_430] {strides = array<i32>} : memref<8x256xf32, #tpu.memory_space<vmem>>, vector<1x16xf32>,
    %swap3A_432 = vector.shape_cast %swap3A_431 : vector<1x16xf32> to vector<16xf32>
    %swap3A_433 = vector.shape_cast %add3A_427 : vector<16xf32> to vector<1x16xf32>
    tpu.vector_store %arg5[%swap3A_429, %swap3A_430], %swap3A_433 {strides = array<i32>} : memref<8x256xf32, #tpu.memory_space<vmem>>, vector<1x16xf32>,
    %slice3A_434 = vector.extract_strided_slice %get3A_6 {offsets = [4], sizes = [1], strides = [1]} : vector<16xf32> to vector<1xf32>
    %squeeze3A_435 = vector.extract %slice3A_434[0] : f32 from vector<1xf32>
    %mul3A_436 = vector.broadcast %squeeze3A_435 : f32 to vector<16xf32>
    %mul3A_437 = arith.mulf %mul3A_436, %sub3A_389 : vector<16xf32>
    %add3A_438 = arith.addf %get3A_385, %mul3A_437 : vector<16xf32>
    %swap3A_439 = arith.constant 4 : i32
    %swap3A_440 = arith.index_cast %swap3A_439 : i32 to index
    %swap3A_441 = arith.constant 64 : index
    %swap3A_442 = tpu.vector_load %arg5[%swap3A_440, %swap3A_441] {strides = array<i32>} : memref<8x256xf32, #tpu.memory_space<vmem>>, vector<1x16xf32>,
    %swap3A_443 = vector.shape_cast %swap3A_442 : vector<1x16xf32> to vector<16xf32>
    %swap3A_444 = vector.shape_cast %add3A_438 : vector<16xf32> to vector<1x16xf32>
    tpu.vector_store %arg5[%swap3A_440, %swap3A_441], %swap3A_444 {strides = array<i32>} : memref<8x256xf32, #tpu.memory_space<vmem>>, vector<1x16xf32>,
    %slice3A_445 = vector.extract_strided_slice %get3A_6 {offsets = [5], sizes = [1], strides = [1]} : vector<16xf32> to vector<1xf32>
    %squeeze3A_446 = vector.extract %slice3A_445[0] : f32 from vector<1xf32>
    %mul3A_447 = vector.broadcast %squeeze3A_446 : f32 to vector<16xf32>
    %mul3A_448 = arith.mulf %mul3A_447, %sub3A_389 : vector<16xf32>
    %add3A_449 = arith.addf %get3A_385, %mul3A_448 : vector<16xf32>
    %swap3A_450 = arith.constant 5 : i32
    %swap3A_451 = arith.index_cast %swap3A_450 : i32 to index
    %swap3A_452 = arith.constant 64 : index
    %swap3A_453 = tpu.vector_load %arg5[%swap3A_451, %swap3A_452] {strides = array<i32>} : memref<8x256xf32, #tpu.memory_space<vmem>>, vector<1x16xf32>,
    %swap3A_454 = vector.shape_cast %swap3A_453 : vector<1x16xf32> to vector<16xf32>
    %swap3A_455 = vector.shape_cast %add3A_449 : vector<16xf32> to vector<1x16xf32>
    tpu.vector_store %arg5[%swap3A_451, %swap3A_452], %swap3A_455 {strides = array<i32>} : memref<8x256xf32, #tpu.memory_space<vmem>>, vector<1x16xf32>,
    %slice3A_456 = vector.extract_strided_slice %get3A_6 {offsets = [6], sizes = [1], strides = [1]} : vector<16xf32> to vector<1xf32>
    %squeeze3A_457 = vector.extract %slice3A_456[0] : f32 from vector<1xf32>
    %mul3A_458 = vector.broadcast %squeeze3A_457 : f32 to vector<16xf32>
    %mul3A_459 = arith.mulf %mul3A_458, %sub3A_389 : vector<16xf32>
    %add3A_460 = arith.addf %get3A_385, %mul3A_459 : vector<16xf32>
    %swap3A_461 = arith.constant 6 : i32
    %swap3A_462 = arith.index_cast %swap3A_461 : i32 to index
    %swap3A_463 = arith.constant 64 : index
    %swap3A_464 = tpu.vector_load %arg5[%swap3A_462, %swap3A_463] {strides = array<i32>} : memref<8x256xf32, #tpu.memory_space<vmem>>, vector<1x16xf32>,
    %swap3A_465 = vector.shape_cast %swap3A_464 : vector<1x16xf32> to vector<16xf32>
    %swap3A_466 = vector.shape_cast %add3A_460 : vector<16xf32> to vector<1x16xf32>
    tpu.vector_store %arg5[%swap3A_462, %swap3A_463], %swap3A_466 {strides = array<i32>} : memref<8x256xf32, #tpu.memory_space<vmem>>, vector<1x16xf32>,
    %slice3A_467 = vector.extract_strided_slice %get3A_6 {offsets = [7], sizes = [1], strides = [1]} : vector<16xf32> to vector<1xf32>
    %squeeze3A_468 = vector.extract %slice3A_467[0] : f32 from vector<1xf32>
    %mul3A_469 = vector.broadcast %squeeze3A_468 : f32 to vector<16xf32>
    %mul3A_470 = arith.mulf %mul3A_469, %sub3A_389 : vector<16xf32>
    %add3A_471 = arith.addf %get3A_385, %mul3A_470 : vector<16xf32>
    %swap3A_472 = arith.constant 7 : i32
    %swap3A_473 = arith.index_cast %swap3A_472 : i32 to index
    %swap3A_474 = arith.constant 64 : index
    %swap3A_475 = tpu.vector_load %arg5[%swap3A_473, %swap3A_474] {strides = array<i32>} : memref<8x256xf32, #tpu.memory_space<vmem>>, vector<1x16xf32>,
    %swap3A_476 = vector.shape_cast %swap3A_475 : vector<1x16xf32> to vector<16xf32>
    %swap3A_477 = vector.shape_cast %add3A_471 : vector<16xf32> to vector<1x16xf32>
    tpu.vector_store %arg5[%swap3A_473, %swap3A_474], %swap3A_477 {strides = array<i32>} : memref<8x256xf32, #tpu.memory_space<vmem>>, vector<1x16xf32>,
    %get3A_478 = arith.constant 80 : index
    %get3A_479 = tpu.vector_load %arg4[%get3A_478] {strides = array<i32>} : memref<768xf32, #tpu.memory_space<vmem>>, vector<16xf32>,
    %get3A_480 = vector.shape_cast %get3A_479 : vector<16xf32> to vector<16xf32>
    %get3A_481 = arith.constant 336 : index
    %get3A_482 = tpu.vector_load %arg4[%get3A_481] {strides = array<i32>} : memref<768xf32, #tpu.memory_space<vmem>>, vector<16xf32>,
    %get3A_483 = vector.shape_cast %get3A_482 : vector<16xf32> to vector<16xf32>
    %sub3A_484 = arith.subf %get3A_483, %get3A_480 : vector<16xf32>
    %slice3A_485 = vector.extract_strided_slice %get3A_6 {offsets = [0], sizes = [1], strides = [1]} : vector<16xf32> to vector<1xf32>
    %squeeze3A_486 = vector.extract %slice3A_485[0] : f32 from vector<1xf32>
    %mul3A_487 = vector.broadcast %squeeze3A_486 : f32 to vector<16xf32>
    %mul3A_488 = arith.mulf %mul3A_487, %sub3A_484 : vector<16xf32>
    %add3A_489 = arith.addf %get3A_480, %mul3A_488 : vector<16xf32>
    %swap3A_490 = arith.constant 0 : i32
    %swap3A_491 = arith.index_cast %swap3A_490 : i32 to index
    %swap3A_492 = arith.constant 80 : index
    %swap3A_493 = tpu.vector_load %arg5[%swap3A_491, %swap3A_492] {strides = array<i32>} : memref<8x256xf32, #tpu.memory_space<vmem>>, vector<1x16xf32>,
    %swap3A_494 = vector.shape_cast %swap3A_493 : vector<1x16xf32> to vector<16xf32>
    %swap3A_495 = vector.shape_cast %add3A_489 : vector<16xf32> to vector<1x16xf32>
    tpu.vector_store %arg5[%swap3A_491, %swap3A_492], %swap3A_495 {strides = array<i32>} : memref<8x256xf32, #tpu.memory_space<vmem>>, vector<1x16xf32>,
    %slice3A_496 = vector.extract_strided_slice %get3A_6 {offsets = [1], sizes = [1], strides = [1]} : vector<16xf32> to vector<1xf32>
    %squeeze3A_497 = vector.extract %slice3A_496[0] : f32 from vector<1xf32>
    %mul3A_498 = vector.broadcast %squeeze3A_497 : f32 to vector<16xf32>
    %mul3A_499 = arith.mulf %mul3A_498, %sub3A_484 : vector<16xf32>
    %add3A_500 = arith.addf %get3A_480, %mul3A_499 : vector<16xf32>
    %swap3A_501 = arith.constant 1 : i32
    %swap3A_502 = arith.index_cast %swap3A_501 : i32 to index
    %swap3A_503 = arith.constant 80 : index
    %swap3A_504 = tpu.vector_load %arg5[%swap3A_502, %swap3A_503] {strides = array<i32>} : memref<8x256xf32, #tpu.memory_space<vmem>>, vector<1x16xf32>,
    %swap3A_505 = vector.shape_cast %swap3A_504 : vector<1x16xf32> to vector<16xf32>
    %swap3A_506 = vector.shape_cast %add3A_500 : vector<16xf32> to vector<1x16xf32>
    tpu.vector_store %arg5[%swap3A_502, %swap3A_503], %swap3A_506 {strides = array<i32>} : memref<8x256xf32, #tpu.memory_space<vmem>>, vector<1x16xf32>,
    %slice3A_507 = vector.extract_strided_slice %get3A_6 {offsets = [2], sizes = [1], strides = [1]} : vector<16xf32> to vector<1xf32>
    %squeeze3A_508 = vector.extract %slice3A_507[0] : f32 from vector<1xf32>
    %mul3A_509 = vector.broadcast %squeeze3A_508 : f32 to vector<16xf32>
    %mul3A_510 = arith.mulf %mul3A_509, %sub3A_484 : vector<16xf32>
    %add3A_511 = arith.addf %get3A_480, %mul3A_510 : vector<16xf32>
    %swap3A_512 = arith.constant 2 : i32
    %swap3A_513 = arith.index_cast %swap3A_512 : i32 to index
    %swap3A_514 = arith.constant 80 : index
    %swap3A_515 = tpu.vector_load %arg5[%swap3A_513, %swap3A_514] {strides = array<i32>} : memref<8x256xf32, #tpu.memory_space<vmem>>, vector<1x16xf32>,
    %swap3A_516 = vector.shape_cast %swap3A_515 : vector<1x16xf32> to vector<16xf32>
    %swap3A_517 = vector.shape_cast %add3A_511 : vector<16xf32> to vector<1x16xf32>
    tpu.vector_store %arg5[%swap3A_513, %swap3A_514], %swap3A_517 {strides = array<i32>} : memref<8x256xf32, #tpu.memory_space<vmem>>, vector<1x16xf32>,
    %slice3A_518 = vector.extract_strided_slice %get3A_6 {offsets = [3], sizes = [1], strides = [1]} : vector<16xf32> to vector<1xf32>
    %squeeze3A_519 = vector.extract %slice3A_518[0] : f32 from vector<1xf32>
    %mul3A_520 = vector.broadcast %squeeze3A_519 : f32 to vector<16xf32>
    %mul3A_521 = arith.mulf %mul3A_520, %sub3A_484 : vector<16xf32>
    %add3A_522 = arith.addf %get3A_480, %mul3A_521 : vector<16xf32>
    %swap3A_523 = arith.constant 3 : i32
    %swap3A_524 = arith.index_cast %swap3A_523 : i32 to index
    %swap3A_525 = arith.constant 80 : index
    %swap3A_526 = tpu.vector_load %arg5[%swap3A_524, %swap3A_525] {strides = array<i32>} : memref<8x256xf32, #tpu.memory_space<vmem>>, vector<1x16xf32>,
    %swap3A_527 = vector.shape_cast %swap3A_526 : vector<1x16xf32> to vector<16xf32>
    %swap3A_528 = vector.shape_cast %add3A_522 : vector<16xf32> to vector<1x16xf32>
    tpu.vector_store %arg5[%swap3A_524, %swap3A_525], %swap3A_528 {strides = array<i32>} : memref<8x256xf32, #tpu.memory_space<vmem>>, vector<1x16xf32>,
    %slice3A_529 = vector.extract_strided_slice %get3A_6 {offsets = [4], sizes = [1], strides = [1]} : vector<16xf32> to vector<1xf32>
    %squeeze3A_530 = vector.extract %slice3A_529[0] : f32 from vector<1xf32>
    %mul3A_531 = vector.broadcast %squeeze3A_530 : f32 to vector<16xf32>
    %mul3A_532 = arith.mulf %mul3A_531, %sub3A_484 : vector<16xf32>
    %add3A_533 = arith.addf %get3A_480, %mul3A_532 : vector<16xf32>
    %swap3A_534 = arith.constant 4 : i32
    %swap3A_535 = arith.index_cast %swap3A_534 : i32 to index
    %swap3A_536 = arith.constant 80 : index
    %swap3A_537 = tpu.vector_load %arg5[%swap3A_535, %swap3A_536] {strides = array<i32>} : memref<8x256xf32, #tpu.memory_space<vmem>>, vector<1x16xf32>,
    %swap3A_538 = vector.shape_cast %swap3A_537 : vector<1x16xf32> to vector<16xf32>
    %swap3A_539 = vector.shape_cast %add3A_533 : vector<16xf32> to vector<1x16xf32>
    tpu.vector_store %arg5[%swap3A_535, %swap3A_536], %swap3A_539 {strides = array<i32>} : memref<8x256xf32, #tpu.memory_space<vmem>>, vector<1x16xf32>,
    %slice3A_540 = vector.extract_strided_slice %get3A_6 {offsets = [5], sizes = [1], strides = [1]} : vector<16xf32> to vector<1xf32>
    %squeeze3A_541 = vector.extract %slice3A_540[0] : f32 from vector<1xf32>
    %mul3A_542 = vector.broadcast %squeeze3A_541 : f32 to vector<16xf32>
    %mul3A_543 = arith.mulf %mul3A_542, %sub3A_484 : vector<16xf32>
    %add3A_544 = arith.addf %get3A_480, %mul3A_543 : vector<16xf32>
    %swap3A_545 = arith.constant 5 : i32
    %swap3A_546 = arith.index_cast %swap3A_545 : i32 to index
    %swap3A_547 = arith.constant 80 : index
    %swap3A_548 = tpu.vector_load %arg5[%swap3A_546, %swap3A_547] {strides = array<i32>} : memref<8x256xf32, #tpu.memory_space<vmem>>, vector<1x16xf32>,
    %swap3A_549 = vector.shape_cast %swap3A_548 : vector<1x16xf32> to vector<16xf32>
    %swap3A_550 = vector.shape_cast %add3A_544 : vector<16xf32> to vector<1x16xf32>
    tpu.vector_store %arg5[%swap3A_546, %swap3A_547], %swap3A_550 {strides = array<i32>} : memref<8x256xf32, #tpu.memory_space<vmem>>, vector<1x16xf32>,
    %slice3A_551 = vector.extract_strided_slice %get3A_6 {offsets = [6], sizes = [1], strides = [1]} : vector<16xf32> to vector<1xf32>
    %squeeze3A_552 = vector.extract %slice3A_551[0] : f32 from vector<1xf32>
    %mul3A_553 = vector.broadcast %squeeze3A_552 : f32 to vector<16xf32>
    %mul3A_554 = arith.mulf %mul3A_553, %sub3A_484 : vector<16xf32>
    %add3A_555 = arith.addf %get3A_480, %mul3A_554 : vector<16xf32>
    %swap3A_556 = arith.constant 6 : i32
    %swap3A_557 = arith.index_cast %swap3A_556 : i32 to index
    %swap3A_558 = arith.constant 80 : index
    %swap3A_559 = tpu.vector_load %arg5[%swap3A_557, %swap3A_558] {strides = array<i32>} : memref<8x256xf32, #tpu.memory_space<vmem>>, vector<1x16xf32>,
    %swap3A_560 = vector.shape_cast %swap3A_559 : vector<1x16xf32> to vector<16xf32>
    %swap3A_561 = vector.shape_cast %add3A_555 : vector<16xf32> to vector<1x16xf32>
    tpu.vector_store %arg5[%swap3A_557, %swap3A_558], %swap3A_561 {strides = array<i32>} : memref<8x256xf32, #tpu.memory_space<vmem>>, vector<1x16xf32>,
    %slice3A_562 = vector.extract_strided_slice %get3A_6 {offsets = [7], sizes = [1], strides = [1]} : vector<16xf32> to vector<1xf32>
    %squeeze3A_563 = vector.extract %slice3A_562[0] : f32 from vector<1xf32>
    %mul3A_564 = vector.broadcast %squeeze3A_563 : f32 to vector<16xf32>
    %mul3A_565 = arith.mulf %mul3A_564, %sub3A_484 : vector<16xf32>
    %add3A_566 = arith.addf %get3A_480, %mul3A_565 : vector<16xf32>
    %swap3A_567 = arith.constant 7 : i32
    %swap3A_568 = arith.index_cast %swap3A_567 : i32 to index
    %swap3A_569 = arith.constant 80 : index
    %swap3A_570 = tpu.vector_load %arg5[%swap3A_568, %swap3A_569] {strides = array<i32>} : memref<8x256xf32, #tpu.memory_space<vmem>>, vector<1x16xf32>,
    %swap3A_571 = vector.shape_cast %swap3A_570 : vector<1x16xf32> to vector<16xf32>
    %swap3A_572 = vector.shape_cast %add3A_566 : vector<16xf32> to vector<1x16xf32>
    tpu.vector_store %arg5[%swap3A_568, %swap3A_569], %swap3A_572 {strides = array<i32>} : memref<8x256xf32, #tpu.memory_space<vmem>>, vector<1x16xf32>,
    %get3A_573 = arith.constant 96 : index
    %get3A_574 = tpu.vector_load %arg4[%get3A_573] {strides = array<i32>} : memref<768xf32, #tpu.memory_space<vmem>>, vector<16xf32>,
    %get3A_575 = vector.shape_cast %get3A_574 : vector<16xf32> to vector<16xf32>
    %get3A_576 = arith.constant 352 : index
    %get3A_577 = tpu.vector_load %arg4[%get3A_576] {strides = array<i32>} : memref<768xf32, #tpu.memory_space<vmem>>, vector<16xf32>,
    %get3A_578 = vector.shape_cast %get3A_577 : vector<16xf32> to vector<16xf32>
    %sub3A_579 = arith.subf %get3A_578, %get3A_575 : vector<16xf32>
    %slice3A_580 = vector.extract_strided_slice %get3A_6 {offsets = [0], sizes = [1], strides = [1]} : vector<16xf32> to vector<1xf32>
    %squeeze3A_581 = vector.extract %slice3A_580[0] : f32 from vector<1xf32>
    %mul3A_582 = vector.broadcast %squeeze3A_581 : f32 to vector<16xf32>
    %mul3A_583 = arith.mulf %mul3A_582, %sub3A_579 : vector<16xf32>
    %add3A_584 = arith.addf %get3A_575, %mul3A_583 : vector<16xf32>
    %swap3A_585 = arith.constant 0 : i32
    %swap3A_586 = arith.index_cast %swap3A_585 : i32 to index
    %swap3A_587 = arith.constant 96 : index
    %swap3A_588 = tpu.vector_load %arg5[%swap3A_586, %swap3A_587] {strides = array<i32>} : memref<8x256xf32, #tpu.memory_space<vmem>>, vector<1x16xf32>,
    %swap3A_589 = vector.shape_cast %swap3A_588 : vector<1x16xf32> to vector<16xf32>
    %swap3A_590 = vector.shape_cast %add3A_584 : vector<16xf32> to vector<1x16xf32>
    tpu.vector_store %arg5[%swap3A_586, %swap3A_587], %swap3A_590 {strides = array<i32>} : memref<8x256xf32, #tpu.memory_space<vmem>>, vector<1x16xf32>,
    %slice3A_591 = vector.extract_strided_slice %get3A_6 {offsets = [1], sizes = [1], strides = [1]} : vector<16xf32> to vector<1xf32>
    %squeeze3A_592 = vector.extract %slice3A_591[0] : f32 from vector<1xf32>
    %mul3A_593 = vector.broadcast %squeeze3A_592 : f32 to vector<16xf32>
    %mul3A_594 = arith.mulf %mul3A_593, %sub3A_579 : vector<16xf32>
    %add3A_595 = arith.addf %get3A_575, %mul3A_594 : vector<16xf32>
    %swap3A_596 = arith.constant 1 : i32
    %swap3A_597 = arith.index_cast %swap3A_596 : i32 to index
    %swap3A_598 = arith.constant 96 : index
    %swap3A_599 = tpu.vector_load %arg5[%swap3A_597, %swap3A_598] {strides = array<i32>} : memref<8x256xf32, #tpu.memory_space<vmem>>, vector<1x16xf32>,
    %swap3A_600 = vector.shape_cast %swap3A_599 : vector<1x16xf32> to vector<16xf32>
    %swap3A_601 = vector.shape_cast %add3A_595 : vector<16xf32> to vector<1x16xf32>
    tpu.vector_store %arg5[%swap3A_597, %swap3A_598], %swap3A_601 {strides = array<i32>} : memref<8x256xf32, #tpu.memory_space<vmem>>, vector<1x16xf32>,
    %slice3A_602 = vector.extract_strided_slice %get3A_6 {offsets = [2], sizes = [1], strides = [1]} : vector<16xf32> to vector<1xf32>
    %squeeze3A_603 = vector.extract %slice3A_602[0] : f32 from vector<1xf32>
    %mul3A_604 = vector.broadcast %squeeze3A_603 : f32 to vector<16xf32>
    %mul3A_605 = arith.mulf %mul3A_604, %sub3A_579 : vector<16xf32>
    %add3A_606 = arith.addf %get3A_575, %mul3A_605 : vector<16xf32>
    %swap3A_607 = arith.constant 2 : i32
    %swap3A_608 = arith.index_cast %swap3A_607 : i32 to index
    %swap3A_609 = arith.constant 96 : index
    %swap3A_610 = tpu.vector_load %arg5[%swap3A_608, %swap3A_609] {strides = array<i32>} : memref<8x256xf32, #tpu.memory_space<vmem>>, vector<1x16xf32>,
    %swap3A_611 = vector.shape_cast %swap3A_610 : vector<1x16xf32> to vector<16xf32>
    %swap3A_612 = vector.shape_cast %add3A_606 : vector<16xf32> to vector<1x16xf32>
    tpu.vector_store %arg5[%swap3A_608, %swap3A_609], %swap3A_612 {strides = array<i32>} : memref<8x256xf32, #tpu.memory_space<vmem>>, vector<1x16xf32>,
    %slice3A_613 = vector.extract_strided_slice %get3A_6 {offsets = [3], sizes = [1], strides = [1]} : vector<16xf32> to vector<1xf32>
    %squeeze3A_614 = vector.extract %slice3A_613[0] : f32 from vector<1xf32>
    %mul3A_615 = vector.broadcast %squeeze3A_614 : f32 to vector<16xf32>
    %mul3A_616 = arith.mulf %mul3A_615, %sub3A_579 : vector<16xf32>
    %add3A_617 = arith.addf %get3A_575, %mul3A_616 : vector<16xf32>
    %swap3A_618 = arith.constant 3 : i32
    %swap3A_619 = arith.index_cast %swap3A_618 : i32 to index
    %swap3A_620 = arith.constant 96 : index
    %swap3A_621 = tpu.vector_load %arg5[%swap3A_619, %swap3A_620] {strides = array<i32>} : memref<8x256xf32, #tpu.memory_space<vmem>>, vector<1x16xf32>,
    %swap3A_622 = vector.shape_cast %swap3A_621 : vector<1x16xf32> to vector<16xf32>
    %swap3A_623 = vector.shape_cast %add3A_617 : vector<16xf32> to vector<1x16xf32>
    tpu.vector_store %arg5[%swap3A_619, %swap3A_620], %swap3A_623 {strides = array<i32>} : memref<8x256xf32, #tpu.memory_space<vmem>>, vector<1x16xf32>,
    %slice3A_624 = vector.extract_strided_slice %get3A_6 {offsets = [4], sizes = [1], strides = [1]} : vector<16xf32> to vector<1xf32>
    %squeeze3A_625 = vector.extract %slice3A_624[0] : f32 from vector<1xf32>
    %mul3A_626 = vector.broadcast %squeeze3A_625 : f32 to vector<16xf32>
    %mul3A_627 = arith.mulf %mul3A_626, %sub3A_579 : vector<16xf32>
    %add3A_628 = arith.addf %get3A_575, %mul3A_627 : vector<16xf32>
    %swap3A_629 = arith.constant 4 : i32
    %swap3A_630 = arith.index_cast %swap3A_629 : i32 to index
    %swap3A_631 = arith.constant 96 : index
    %swap3A_632 = tpu.vector_load %arg5[%swap3A_630, %swap3A_631] {strides = array<i32>} : memref<8x256xf32, #tpu.memory_space<vmem>>, vector<1x16xf32>,
    %swap3A_633 = vector.shape_cast %swap3A_632 : vector<1x16xf32> to vector<16xf32>
    %swap3A_634 = vector.shape_cast %add3A_628 : vector<16xf32> to vector<1x16xf32>
    tpu.vector_store %arg5[%swap3A_630, %swap3A_631], %swap3A_634 {strides = array<i32>} : memref<8x256xf32, #tpu.memory_space<vmem>>, vector<1x16xf32>,
    %slice3A_635 = vector.extract_strided_slice %get3A_6 {offsets = [5], sizes = [1], strides = [1]} : vector<16xf32> to vector<1xf32>
    %squeeze3A_636 = vector.extract %slice3A_635[0] : f32 from vector<1xf32>
    %mul3A_637 = vector.broadcast %squeeze3A_636 : f32 to vector<16xf32>
    %mul3A_638 = arith.mulf %mul3A_637, %sub3A_579 : vector<16xf32>
    %add3A_639 = arith.addf %get3A_575, %mul3A_638 : vector<16xf32>
    %swap3A_640 = arith.constant 5 : i32
    %swap3A_641 = arith.index_cast %swap3A_640 : i32 to index
    %swap3A_642 = arith.constant 96 : index
    %swap3A_643 = tpu.vector_load %arg5[%swap3A_641, %swap3A_642] {strides = array<i32>} : memref<8x256xf32, #tpu.memory_space<vmem>>, vector<1x16xf32>,
    %swap3A_644 = vector.shape_cast %swap3A_643 : vector<1x16xf32> to vector<16xf32>
    %swap3A_645 = vector.shape_cast %add3A_639 : vector<16xf32> to vector<1x16xf32>
    tpu.vector_store %arg5[%swap3A_641, %swap3A_642], %swap3A_645 {strides = array<i32>} : memref<8x256xf32, #tpu.memory_space<vmem>>, vector<1x16xf32>,
    %slice3A_646 = vector.extract_strided_slice %get3A_6 {offsets = [6], sizes = [1], strides = [1]} : vector<16xf32> to vector<1xf32>
    %squeeze3A_647 = vector.extract %slice3A_646[0] : f32 from vector<1xf32>
    %mul3A_648 = vector.broadcast %squeeze3A_647 : f32 to vector<16xf32>
    %mul3A_649 = arith.mulf %mul3A_648, %sub3A_579 : vector<16xf32>
    %add3A_650 = arith.addf %get3A_575, %mul3A_649 : vector<16xf32>
    %swap3A_651 = arith.constant 6 : i32
    %swap3A_652 = arith.index_cast %swap3A_651 : i32 to index
    %swap3A_653 = arith.constant 96 : index
    %swap3A_654 = tpu.vector_load %arg5[%swap3A_652, %swap3A_653] {strides = array<i32>} : memref<8x256xf32, #tpu.memory_space<vmem>>, vector<1x16xf32>,
    %swap3A_655 = vector.shape_cast %swap3A_654 : vector<1x16xf32> to vector<16xf32>
    %swap3A_656 = vector.shape_cast %add3A_650 : vector<16xf32> to vector<1x16xf32>
    tpu.vector_store %arg5[%swap3A_652, %swap3A_653], %swap3A_656 {strides = array<i32>} : memref<8x256xf32, #tpu.memory_space<vmem>>, vector<1x16xf32>,
    %slice3A_657 = vector.extract_strided_slice %get3A_6 {offsets = [7], sizes = [1], strides = [1]} : vector<16xf32> to vector<1xf32>
    %squeeze3A_658 = vector.extract %slice3A_657[0] : f32 from vector<1xf32>
    %mul3A_659 = vector.broadcast %squeeze3A_658 : f32 to vector<16xf32>
    %mul3A_660 = arith.mulf %mul3A_659, %sub3A_579 : vector<16xf32>
    %add3A_661 = arith.addf %get3A_575, %mul3A_660 : vector<16xf32>
    %swap3A_662 = arith.constant 7 : i32
    %swap3A_663 = arith.index_cast %swap3A_662 : i32 to index
    %swap3A_664 = arith.constant 96 : index
    %swap3A_665 = tpu.vector_load %arg5[%swap3A_663, %swap3A_664] {strides = array<i32>} : memref<8x256xf32, #tpu.memory_space<vmem>>, vector<1x16xf32>,
    %swap3A_666 = vector.shape_cast %swap3A_665 : vector<1x16xf32> to vector<16xf32>
    %swap3A_667 = vector.shape_cast %add3A_661 : vector<16xf32> to vector<1x16xf32>
    tpu.vector_store %arg5[%swap3A_663, %swap3A_664], %swap3A_667 {strides = array<i32>} : memref<8x256xf32, #tpu.memory_space<vmem>>, vector<1x16xf32>,
    %get3A_668 = arith.constant 112 : index
    %get3A_669 = tpu.vector_load %arg4[%get3A_668] {strides = array<i32>} : memref<768xf32, #tpu.memory_space<vmem>>, vector<16xf32>,
    %get3A_670 = vector.shape_cast %get3A_669 : vector<16xf32> to vector<16xf32>
    %get3A_671 = arith.constant 368 : index
    %get3A_672 = tpu.vector_load %arg4[%get3A_671] {strides = array<i32>} : memref<768xf32, #tpu.memory_space<vmem>>, vector<16xf32>,
    %get3A_673 = vector.shape_cast %get3A_672 : vector<16xf32> to vector<16xf32>
    %sub3A_674 = arith.subf %get3A_673, %get3A_670 : vector<16xf32>
    %slice3A_675 = vector.extract_strided_slice %get3A_6 {offsets = [0], sizes = [1], strides = [1]} : vector<16xf32> to vector<1xf32>
    %squeeze3A_676 = vector.extract %slice3A_675[0] : f32 from vector<1xf32>
    %mul3A_677 = vector.broadcast %squeeze3A_676 : f32 to vector<16xf32>
    %mul3A_678 = arith.mulf %mul3A_677, %sub3A_674 : vector<16xf32>
    %add3A_679 = arith.addf %get3A_670, %mul3A_678 : vector<16xf32>
    %swap3A_680 = arith.constant 0 : i32
    %swap3A_681 = arith.index_cast %swap3A_680 : i32 to index
    %swap3A_682 = arith.constant 112 : index
    %swap3A_683 = tpu.vector_load %arg5[%swap3A_681, %swap3A_682] {strides = array<i32>} : memref<8x256xf32, #tpu.memory_space<vmem>>, vector<1x16xf32>,
    %swap3A_684 = vector.shape_cast %swap3A_683 : vector<1x16xf32> to vector<16xf32>
    %swap3A_685 = vector.shape_cast %add3A_679 : vector<16xf32> to vector<1x16xf32>
    tpu.vector_store %arg5[%swap3A_681, %swap3A_682], %swap3A_685 {strides = array<i32>} : memref<8x256xf32, #tpu.memory_space<vmem>>, vector<1x16xf32>,
    %slice3A_686 = vector.extract_strided_slice %get3A_6 {offsets = [1], sizes = [1], strides = [1]} : vector<16xf32> to vector<1xf32>
    %squeeze3A_687 = vector.extract %slice3A_686[0] : f32 from vector<1xf32>
    %mul3A_688 = vector.broadcast %squeeze3A_687 : f32 to vector<16xf32>
    %mul3A_689 = arith.mulf %mul3A_688, %sub3A_674 : vector<16xf32>
    %add3A_690 = arith.addf %get3A_670, %mul3A_689 : vector<16xf32>
    %swap3A_691 = arith.constant 1 : i32
    %swap3A_692 = arith.index_cast %swap3A_691 : i32 to index
    %swap3A_693 = arith.constant 112 : index
    %swap3A_694 = tpu.vector_load %arg5[%swap3A_692, %swap3A_693] {strides = array<i32>} : memref<8x256xf32, #tpu.memory_space<vmem>>, vector<1x16xf32>,
    %swap3A_695 = vector.shape_cast %swap3A_694 : vector<1x16xf32> to vector<16xf32>
    %swap3A_696 = vector.shape_cast %add3A_690 : vector<16xf32> to vector<1x16xf32>
    tpu.vector_store %arg5[%swap3A_692, %swap3A_693], %swap3A_696 {strides = array<i32>} : memref<8x256xf32, #tpu.memory_space<vmem>>, vector<1x16xf32>,
    %slice3A_697 = vector.extract_strided_slice %get3A_6 {offsets = [2], sizes = [1], strides = [1]} : vector<16xf32> to vector<1xf32>
    %squeeze3A_698 = vector.extract %slice3A_697[0] : f32 from vector<1xf32>
    %mul3A_699 = vector.broadcast %squeeze3A_698 : f32 to vector<16xf32>
    %mul3A_700 = arith.mulf %mul3A_699, %sub3A_674 : vector<16xf32>
    %add3A_701 = arith.addf %get3A_670, %mul3A_700 : vector<16xf32>
    %swap3A_702 = arith.constant 2 : i32
    %swap3A_703 = arith.index_cast %swap3A_702 : i32 to index
    %swap3A_704 = arith.constant 112 : index
    %swap3A_705 = tpu.vector_load %arg5[%swap3A_703, %swap3A_704] {strides = array<i32>} : memref<8x256xf32, #tpu.memory_space<vmem>>, vector<1x16xf32>,
    %swap3A_706 = vector.shape_cast %swap3A_705 : vector<1x16xf32> to vector<16xf32>
    %swap3A_707 = vector.shape_cast %add3A_701 : vector<16xf32> to vector<1x16xf32>
    tpu.vector_store %arg5[%swap3A_703, %swap3A_704], %swap3A_707 {strides = array<i32>} : memref<8x256xf32, #tpu.memory_space<vmem>>, vector<1x16xf32>,
    %slice3A_708 = vector.extract_strided_slice %get3A_6 {offsets = [3], sizes = [1], strides = [1]} : vector<16xf32> to vector<1xf32>
    %squeeze3A_709 = vector.extract %slice3A_708[0] : f32 from vector<1xf32>
    %mul3A_710 = vector.broadcast %squeeze3A_709 : f32 to vector<16xf32>
    %mul3A_711 = arith.mulf %mul3A_710, %sub3A_674 : vector<16xf32>
    %add3A_712 = arith.addf %get3A_670, %mul3A_711 : vector<16xf32>
    %swap3A_713 = arith.constant 3 : i32
    %swap3A_714 = arith.index_cast %swap3A_713 : i32 to index
    %swap3A_715 = arith.constant 112 : index
    %swap3A_716 = tpu.vector_load %arg5[%swap3A_714, %swap3A_715] {strides = array<i32>} : memref<8x256xf32, #tpu.memory_space<vmem>>, vector<1x16xf32>,
    %swap3A_717 = vector.shape_cast %swap3A_716 : vector<1x16xf32> to vector<16xf32>
    %swap3A_718 = vector.shape_cast %add3A_712 : vector<16xf32> to vector<1x16xf32>
    tpu.vector_store %arg5[%swap3A_714, %swap3A_715], %swap3A_718 {strides = array<i32>} : memref<8x256xf32, #tpu.memory_space<vmem>>, vector<1x16xf32>,
    %slice3A_719 = vector.extract_strided_slice %get3A_6 {offsets = [4], sizes = [1], strides = [1]} : vector<16xf32> to vector<1xf32>
    %squeeze3A_720 = vector.extract %slice3A_719[0] : f32 from vector<1xf32>
    %mul3A_721 = vector.broadcast %squeeze3A_720 : f32 to vector<16xf32>
    %mul3A_722 = arith.mulf %mul3A_721, %sub3A_674 : vector<16xf32>
    %add3A_723 = arith.addf %get3A_670, %mul3A_722 : vector<16xf32>
    %swap3A_724 = arith.constant 4 : i32
    %swap3A_725 = arith.index_cast %swap3A_724 : i32 to index
    %swap3A_726 = arith.constant 112 : index
    %swap3A_727 = tpu.vector_load %arg5[%swap3A_725, %swap3A_726] {strides = array<i32>} : memref<8x256xf32, #tpu.memory_space<vmem>>, vector<1x16xf32>,
    %swap3A_728 = vector.shape_cast %swap3A_727 : vector<1x16xf32> to vector<16xf32>
    %swap3A_729 = vector.shape_cast %add3A_723 : vector<16xf32> to vector<1x16xf32>
    tpu.vector_store %arg5[%swap3A_725, %swap3A_726], %swap3A_729 {strides = array<i32>} : memref<8x256xf32, #tpu.memory_space<vmem>>, vector<1x16xf32>,
    %slice3A_730 = vector.extract_strided_slice %get3A_6 {offsets = [5], sizes = [1], strides = [1]} : vector<16xf32> to vector<1xf32>
    %squeeze3A_731 = vector.extract %slice3A_730[0] : f32 from vector<1xf32>
    %mul3A_732 = vector.broadcast %squeeze3A_731 : f32 to vector<16xf32>
    %mul3A_733 = arith.mulf %mul3A_732, %sub3A_674 : vector<16xf32>
    %add3A_734 = arith.addf %get3A_670, %mul3A_733 : vector<16xf32>
    %swap3A_735 = arith.constant 5 : i32
    %swap3A_736 = arith.index_cast %swap3A_735 : i32 to index
    %swap3A_737 = arith.constant 112 : index
    %swap3A_738 = tpu.vector_load %arg5[%swap3A_736, %swap3A_737] {strides = array<i32>} : memref<8x256xf32, #tpu.memory_space<vmem>>, vector<1x16xf32>,
    %swap3A_739 = vector.shape_cast %swap3A_738 : vector<1x16xf32> to vector<16xf32>
    %swap3A_740 = vector.shape_cast %add3A_734 : vector<16xf32> to vector<1x16xf32>
    tpu.vector_store %arg5[%swap3A_736, %swap3A_737], %swap3A_740 {strides = array<i32>} : memref<8x256xf32, #tpu.memory_space<vmem>>, vector<1x16xf32>,
    %slice3A_741 = vector.extract_strided_slice %get3A_6 {offsets = [6], sizes = [1], strides = [1]} : vector<16xf32> to vector<1xf32>
    %squeeze3A_742 = vector.extract %slice3A_741[0] : f32 from vector<1xf32>
    %mul3A_743 = vector.broadcast %squeeze3A_742 : f32 to vector<16xf32>
    %mul3A_744 = arith.mulf %mul3A_743, %sub3A_674 : vector<16xf32>
    %add3A_745 = arith.addf %get3A_670, %mul3A_744 : vector<16xf32>
    %swap3A_746 = arith.constant 6 : i32
    %swap3A_747 = arith.index_cast %swap3A_746 : i32 to index
    %swap3A_748 = arith.constant 112 : index
    %swap3A_749 = tpu.vector_load %arg5[%swap3A_747, %swap3A_748] {strides = array<i32>} : memref<8x256xf32, #tpu.memory_space<vmem>>, vector<1x16xf32>,
    %swap3A_750 = vector.shape_cast %swap3A_749 : vector<1x16xf32> to vector<16xf32>
    %swap3A_751 = vector.shape_cast %add3A_745 : vector<16xf32> to vector<1x16xf32>
    tpu.vector_store %arg5[%swap3A_747, %swap3A_748], %swap3A_751 {strides = array<i32>} : memref<8x256xf32, #tpu.memory_space<vmem>>, vector<1x16xf32>,
    %slice3A_752 = vector.extract_strided_slice %get3A_6 {offsets = [7], sizes = [1], strides = [1]} : vector<16xf32> to vector<1xf32>
    %squeeze3A_753 = vector.extract %slice3A_752[0] : f32 from vector<1xf32>
    %mul3A_754 = vector.broadcast %squeeze3A_753 : f32 to vector<16xf32>
    %mul3A_755 = arith.mulf %mul3A_754, %sub3A_674 : vector<16xf32>
    %add3A_756 = arith.addf %get3A_670, %mul3A_755 : vector<16xf32>
    %swap3A_757 = arith.constant 7 : i32
    %swap3A_758 = arith.index_cast %swap3A_757 : i32 to index
    %swap3A_759 = arith.constant 112 : index
    %swap3A_760 = tpu.vector_load %arg5[%swap3A_758, %swap3A_759] {strides = array<i32>} : memref<8x256xf32, #tpu.memory_space<vmem>>, vector<1x16xf32>,
    %swap3A_761 = vector.shape_cast %swap3A_760 : vector<1x16xf32> to vector<16xf32>
    %swap3A_762 = vector.shape_cast %add3A_756 : vector<16xf32> to vector<1x16xf32>
    tpu.vector_store %arg5[%swap3A_758, %swap3A_759], %swap3A_762 {strides = array<i32>} : memref<8x256xf32, #tpu.memory_space<vmem>>, vector<1x16xf32>,
    %get3A_763 = arith.constant 128 : index
    %get3A_764 = tpu.vector_load %arg4[%get3A_763] {strides = array<i32>} : memref<768xf32, #tpu.memory_space<vmem>>, vector<16xf32>,
    %get3A_765 = vector.shape_cast %get3A_764 : vector<16xf32> to vector<16xf32>
    %get3A_766 = arith.constant 384 : index
    %get3A_767 = tpu.vector_load %arg4[%get3A_766] {strides = array<i32>} : memref<768xf32, #tpu.memory_space<vmem>>, vector<16xf32>,
    %get3A_768 = vector.shape_cast %get3A_767 : vector<16xf32> to vector<16xf32>
    %sub3A_769 = arith.subf %get3A_768, %get3A_765 : vector<16xf32>
    %slice3A_770 = vector.extract_strided_slice %get3A_6 {offsets = [0], sizes = [1], strides = [1]} : vector<16xf32> to vector<1xf32>
    %squeeze3A_771 = vector.extract %slice3A_770[0] : f32 from vector<1xf32>
    %mul3A_772 = vector.broadcast %squeeze3A_771 : f32 to vector<16xf32>
    %mul3A_773 = arith.mulf %mul3A_772, %sub3A_769 : vector<16xf32>
    %add3A_774 = arith.addf %get3A_765, %mul3A_773 : vector<16xf32>
    %swap3A_775 = arith.constant 0 : i32
    %swap3A_776 = arith.index_cast %swap3A_775 : i32 to index
    %swap3A_777 = arith.constant 128 : index
    %swap3A_778 = tpu.vector_load %arg5[%swap3A_776, %swap3A_777] {strides = array<i32>} : memref<8x256xf32, #tpu.memory_space<vmem>>, vector<1x16xf32>,
    %swap3A_779 = vector.shape_cast %swap3A_778 : vector<1x16xf32> to vector<16xf32>
    %swap3A_780 = vector.shape_cast %add3A_774 : vector<16xf32> to vector<1x16xf32>
    tpu.vector_store %arg5[%swap3A_776, %swap3A_777], %swap3A_780 {strides = array<i32>} : memref<8x256xf32, #tpu.memory_space<vmem>>, vector<1x16xf32>,
    %slice3A_781 = vector.extract_strided_slice %get3A_6 {offsets = [1], sizes = [1], strides = [1]} : vector<16xf32> to vector<1xf32>
    %squeeze3A_782 = vector.extract %slice3A_781[0] : f32 from vector<1xf32>
    %mul3A_783 = vector.broadcast %squeeze3A_782 : f32 to vector<16xf32>
    %mul3A_784 = arith.mulf %mul3A_783, %sub3A_769 : vector<16xf32>
    %add3A_785 = arith.addf %get3A_765, %mul3A_784 : vector<16xf32>
    %swap3A_786 = arith.constant 1 : i32
    %swap3A_787 = arith.index_cast %swap3A_786 : i32 to index
    %swap3A_788 = arith.constant 128 : index
    %swap3A_789 = tpu.vector_load %arg5[%swap3A_787, %swap3A_788] {strides = array<i32>} : memref<8x256xf32, #tpu.memory_space<vmem>>, vector<1x16xf32>,
    %swap3A_790 = vector.shape_cast %swap3A_789 : vector<1x16xf32> to vector<16xf32>
    %swap3A_791 = vector.shape_cast %add3A_785 : vector<16xf32> to vector<1x16xf32>
    tpu.vector_store %arg5[%swap3A_787, %swap3A_788], %swap3A_791 {strides = array<i32>} : memref<8x256xf32, #tpu.memory_space<vmem>>, vector<1x16xf32>,
    %slice3A_792 = vector.extract_strided_slice %get3A_6 {offsets = [2], sizes = [1], strides = [1]} : vector<16xf32> to vector<1xf32>
    %squeeze3A_793 = vector.extract %slice3A_792[0] : f32 from vector<1xf32>
    %mul3A_794 = vector.broadcast %squeeze3A_793 : f32 to vector<16xf32>
    %mul3A_795 = arith.mulf %mul3A_794, %sub3A_769 : vector<16xf32>
    %add3A_796 = arith.addf %get3A_765, %mul3A_795 : vector<16xf32>
    %swap3A_797 = arith.constant 2 : i32
    %swap3A_798 = arith.index_cast %swap3A_797 : i32 to index
    %swap3A_799 = arith.constant 128 : index
    %swap3A_800 = tpu.vector_load %arg5[%swap3A_798, %swap3A_799] {strides = array<i32>} : memref<8x256xf32, #tpu.memory_space<vmem>>, vector<1x16xf32>,
    %swap3A_801 = vector.shape_cast %swap3A_800 : vector<1x16xf32> to vector<16xf32>
    %swap3A_802 = vector.shape_cast %add3A_796 : vector<16xf32> to vector<1x16xf32>
    tpu.vector_store %arg5[%swap3A_798, %swap3A_799], %swap3A_802 {strides = array<i32>} : memref<8x256xf32, #tpu.memory_space<vmem>>, vector<1x16xf32>,
    %slice3A_803 = vector.extract_strided_slice %get3A_6 {offsets = [3], sizes = [1], strides = [1]} : vector<16xf32> to vector<1xf32>
    %squeeze3A_804 = vector.extract %slice3A_803[0] : f32 from vector<1xf32>
    %mul3A_805 = vector.broadcast %squeeze3A_804 : f32 to vector<16xf32>
    %mul3A_806 = arith.mulf %mul3A_805, %sub3A_769 : vector<16xf32>
    %add3A_807 = arith.addf %get3A_765, %mul3A_806 : vector<16xf32>
    %swap3A_808 = arith.constant 3 : i32
    %swap3A_809 = arith.index_cast %swap3A_808 : i32 to index
    %swap3A_810 = arith.constant 128 : index
    %swap3A_811 = tpu.vector_load %arg5[%swap3A_809, %swap3A_810] {strides = array<i32>} : memref<8x256xf32, #tpu.memory_space<vmem>>, vector<1x16xf32>,
    %swap3A_812 = vector.shape_cast %swap3A_811 : vector<1x16xf32> to vector<16xf32>
    %swap3A_813 = vector.shape_cast %add3A_807 : vector<16xf32> to vector<1x16xf32>
    tpu.vector_store %arg5[%swap3A_809, %swap3A_810], %swap3A_813 {strides = array<i32>} : memref<8x256xf32, #tpu.memory_space<vmem>>, vector<1x16xf32>,
    %slice3A_814 = vector.extract_strided_slice %get3A_6 {offsets = [4], sizes = [1], strides = [1]} : vector<16xf32> to vector<1xf32>
    %squeeze3A_815 = vector.extract %slice3A_814[0] : f32 from vector<1xf32>
    %mul3A_816 = vector.broadcast %squeeze3A_815 : f32 to vector<16xf32>
    %mul3A_817 = arith.mulf %mul3A_816, %sub3A_769 : vector<16xf32>
    %add3A_818 = arith.addf %get3A_765, %mul3A_817 : vector<16xf32>
    %swap3A_819 = arith.constant 4 : i32
    %swap3A_820 = arith.index_cast %swap3A_819 : i32 to index
    %swap3A_821 = arith.constant 128 : index
    %swap3A_822 = tpu.vector_load %arg5[%swap3A_820, %swap3A_821] {strides = array<i32>} : memref<8x256xf32, #tpu.memory_space<vmem>>, vector<1x16xf32>,
    %swap3A_823 = vector.shape_cast %swap3A_822 : vector<1x16xf32> to vector<16xf32>
    %swap3A_824 = vector.shape_cast %add3A_818 : vector<16xf32> to vector<1x16xf32>
    tpu.vector_store %arg5[%swap3A_820, %swap3A_821], %swap3A_824 {strides = array<i32>} : memref<8x256xf32, #tpu.memory_space<vmem>>, vector<1x16xf32>,
    %slice3A_825 = vector.extract_strided_slice %get3A_6 {offsets = [5], sizes = [1], strides = [1]} : vector<16xf32> to vector<1xf32>
    %squeeze3A_826 = vector.extract %slice3A_825[0] : f32 from vector<1xf32>
    %mul3A_827 = vector.broadcast %squeeze3A_826 : f32 to vector<16xf32>
    %mul3A_828 = arith.mulf %mul3A_827, %sub3A_769 : vector<16xf32>
    %add3A_829 = arith.addf %get3A_765, %mul3A_828 : vector<16xf32>
    %swap3A_830 = arith.constant 5 : i32
    %swap3A_831 = arith.index_cast %swap3A_830 : i32 to index
    %swap3A_832 = arith.constant 128 : index
    %swap3A_833 = tpu.vector_load %arg5[%swap3A_831, %swap3A_832] {strides = array<i32>} : memref<8x256xf32, #tpu.memory_space<vmem>>, vector<1x16xf32>,
    %swap3A_834 = vector.shape_cast %swap3A_833 : vector<1x16xf32> to vector<16xf32>
    %swap3A_835 = vector.shape_cast %add3A_829 : vector<16xf32> to vector<1x16xf32>
    tpu.vector_store %arg5[%swap3A_831, %swap3A_832], %swap3A_835 {strides = array<i32>} : memref<8x256xf32, #tpu.memory_space<vmem>>, vector<1x16xf32>,
    %slice3A_836 = vector.extract_strided_slice %get3A_6 {offsets = [6], sizes = [1], strides = [1]} : vector<16xf32> to vector<1xf32>
    %squeeze3A_837 = vector.extract %slice3A_836[0] : f32 from vector<1xf32>
    %mul3A_838 = vector.broadcast %squeeze3A_837 : f32 to vector<16xf32>
    %mul3A_839 = arith.mulf %mul3A_838, %sub3A_769 : vector<16xf32>
    %add3A_840 = arith.addf %get3A_765, %mul3A_839 : vector<16xf32>
    %swap3A_841 = arith.constant 6 : i32
    %swap3A_842 = arith.index_cast %swap3A_841 : i32 to index
    %swap3A_843 = arith.constant 128 : index
    %swap3A_844 = tpu.vector_load %arg5[%swap3A_842, %swap3A_843] {strides = array<i32>} : memref<8x256xf32, #tpu.memory_space<vmem>>, vector<1x16xf32>,
    %swap3A_845 = vector.shape_cast %swap3A_844 : vector<1x16xf32> to vector<16xf32>
    %swap3A_846 = vector.shape_cast %add3A_840 : vector<16xf32> to vector<1x16xf32>
    tpu.vector_store %arg5[%swap3A_842, %swap3A_843], %swap3A_846 {strides = array<i32>} : memref<8x256xf32, #tpu.memory_space<vmem>>, vector<1x16xf32>,
    %slice3A_847 = vector.extract_strided_slice %get3A_6 {offsets = [7], sizes = [1], strides = [1]} : vector<16xf32> to vector<1xf32>
    %squeeze3A_848 = vector.extract %slice3A_847[0] : f32 from vector<1xf32>
    %mul3A_849 = vector.broadcast %squeeze3A_848 : f32 to vector<16xf32>
    %mul3A_850 = arith.mulf %mul3A_849, %sub3A_769 : vector<16xf32>
    %add3A_851 = arith.addf %get3A_765, %mul3A_850 : vector<16xf32>
    %swap3A_852 = arith.constant 7 : i32
    %swap3A_853 = arith.index_cast %swap3A_852 : i32 to index
    %swap3A_854 = arith.constant 128 : index
    %swap3A_855 = tpu.vector_load %arg5[%swap3A_853, %swap3A_854] {strides = array<i32>} : memref<8x256xf32, #tpu.memory_space<vmem>>, vector<1x16xf32>,
    %swap3A_856 = vector.shape_cast %swap3A_855 : vector<1x16xf32> to vector<16xf32>
    %swap3A_857 = vector.shape_cast %add3A_851 : vector<16xf32> to vector<1x16xf32>
    tpu.vector_store %arg5[%swap3A_853, %swap3A_854], %swap3A_857 {strides = array<i32>} : memref<8x256xf32, #tpu.memory_space<vmem>>, vector<1x16xf32>,
    %get3A_858 = arith.constant 144 : index
    %get3A_859 = tpu.vector_load %arg4[%get3A_858] {strides = array<i32>} : memref<768xf32, #tpu.memory_space<vmem>>, vector<16xf32>,
    %get3A_860 = vector.shape_cast %get3A_859 : vector<16xf32> to vector<16xf32>
    %get3A_861 = arith.constant 400 : index
    %get3A_862 = tpu.vector_load %arg4[%get3A_861] {strides = array<i32>} : memref<768xf32, #tpu.memory_space<vmem>>, vector<16xf32>,
    %get3A_863 = vector.shape_cast %get3A_862 : vector<16xf32> to vector<16xf32>
    %sub3A_864 = arith.subf %get3A_863, %get3A_860 : vector<16xf32>
    %slice3A_865 = vector.extract_strided_slice %get3A_6 {offsets = [0], sizes = [1], strides = [1]} : vector<16xf32> to vector<1xf32>
    %squeeze3A_866 = vector.extract %slice3A_865[0] : f32 from vector<1xf32>
    %mul3A_867 = vector.broadcast %squeeze3A_866 : f32 to vector<16xf32>
    %mul3A_868 = arith.mulf %mul3A_867, %sub3A_864 : vector<16xf32>
    %add3A_869 = arith.addf %get3A_860, %mul3A_868 : vector<16xf32>
    %swap3A_870 = arith.constant 0 : i32
    %swap3A_871 = arith.index_cast %swap3A_870 : i32 to index
    %swap3A_872 = arith.constant 144 : index
    %swap3A_873 = tpu.vector_load %arg5[%swap3A_871, %swap3A_872] {strides = array<i32>} : memref<8x256xf32, #tpu.memory_space<vmem>>, vector<1x16xf32>,
    %swap3A_874 = vector.shape_cast %swap3A_873 : vector<1x16xf32> to vector<16xf32>
    %swap3A_875 = vector.shape_cast %add3A_869 : vector<16xf32> to vector<1x16xf32>
    tpu.vector_store %arg5[%swap3A_871, %swap3A_872], %swap3A_875 {strides = array<i32>} : memref<8x256xf32, #tpu.memory_space<vmem>>, vector<1x16xf32>,
    %slice3A_876 = vector.extract_strided_slice %get3A_6 {offsets = [1], sizes = [1], strides = [1]} : vector<16xf32> to vector<1xf32>
    %squeeze3A_877 = vector.extract %slice3A_876[0] : f32 from vector<1xf32>
    %mul3A_878 = vector.broadcast %squeeze3A_877 : f32 to vector<16xf32>
    %mul3A_879 = arith.mulf %mul3A_878, %sub3A_864 : vector<16xf32>
    %add3A_880 = arith.addf %get3A_860, %mul3A_879 : vector<16xf32>
    %swap3A_881 = arith.constant 1 : i32
    %swap3A_882 = arith.index_cast %swap3A_881 : i32 to index
    %swap3A_883 = arith.constant 144 : index
    %swap3A_884 = tpu.vector_load %arg5[%swap3A_882, %swap3A_883] {strides = array<i32>} : memref<8x256xf32, #tpu.memory_space<vmem>>, vector<1x16xf32>,
    %swap3A_885 = vector.shape_cast %swap3A_884 : vector<1x16xf32> to vector<16xf32>
    %swap3A_886 = vector.shape_cast %add3A_880 : vector<16xf32> to vector<1x16xf32>
    tpu.vector_store %arg5[%swap3A_882, %swap3A_883], %swap3A_886 {strides = array<i32>} : memref<8x256xf32, #tpu.memory_space<vmem>>, vector<1x16xf32>,
    %slice3A_887 = vector.extract_strided_slice %get3A_6 {offsets = [2], sizes = [1], strides = [1]} : vector<16xf32> to vector<1xf32>
    %squeeze3A_888 = vector.extract %slice3A_887[0] : f32 from vector<1xf32>
    %mul3A_889 = vector.broadcast %squeeze3A_888 : f32 to vector<16xf32>
    %mul3A_890 = arith.mulf %mul3A_889, %sub3A_864 : vector<16xf32>
    %add3A_891 = arith.addf %get3A_860, %mul3A_890 : vector<16xf32>
    %swap3A_892 = arith.constant 2 : i32
    %swap3A_893 = arith.index_cast %swap3A_892 : i32 to index
    %swap3A_894 = arith.constant 144 : index
    %swap3A_895 = tpu.vector_load %arg5[%swap3A_893, %swap3A_894] {strides = array<i32>} : memref<8x256xf32, #tpu.memory_space<vmem>>, vector<1x16xf32>,
    %swap3A_896 = vector.shape_cast %swap3A_895 : vector<1x16xf32> to vector<16xf32>
    %swap3A_897 = vector.shape_cast %add3A_891 : vector<16xf32> to vector<1x16xf32>
    tpu.vector_store %arg5[%swap3A_893, %swap3A_894], %swap3A_897 {strides = array<i32>} : memref<8x256xf32, #tpu.memory_space<vmem>>, vector<1x16xf32>,
    %slice3A_898 = vector.extract_strided_slice %get3A_6 {offsets = [3], sizes = [1], strides = [1]} : vector<16xf32> to vector<1xf32>
    %squeeze3A_899 = vector.extract %slice3A_898[0] : f32 from vector<1xf32>
    %mul3A_900 = vector.broadcast %squeeze3A_899 : f32 to vector<16xf32>
    %mul3A_901 = arith.mulf %mul3A_900, %sub3A_864 : vector<16xf32>
    %add3A_902 = arith.addf %get3A_860, %mul3A_901 : vector<16xf32>
    %swap3A_903 = arith.constant 3 : i32
    %swap3A_904 = arith.index_cast %swap3A_903 : i32 to index
    %swap3A_905 = arith.constant 144 : index
    %swap3A_906 = tpu.vector_load %arg5[%swap3A_904, %swap3A_905] {strides = array<i32>} : memref<8x256xf32, #tpu.memory_space<vmem>>, vector<1x16xf32>,
    %swap3A_907 = vector.shape_cast %swap3A_906 : vector<1x16xf32> to vector<16xf32>
    %swap3A_908 = vector.shape_cast %add3A_902 : vector<16xf32> to vector<1x16xf32>
    tpu.vector_store %arg5[%swap3A_904, %swap3A_905], %swap3A_908 {strides = array<i32>} : memref<8x256xf32, #tpu.memory_space<vmem>>, vector<1x16xf32>,
    %slice3A_909 = vector.extract_strided_slice %get3A_6 {offsets = [4], sizes = [1], strides = [1]} : vector<16xf32> to vector<1xf32>
    %squeeze3A_910 = vector.extract %slice3A_909[0] : f32 from vector<1xf32>
    %mul3A_911 = vector.broadcast %squeeze3A_910 : f32 to vector<16xf32>
    %mul3A_912 = arith.mulf %mul3A_911, %sub3A_864 : vector<16xf32>
    %add3A_913 = arith.addf %get3A_860, %mul3A_912 : vector<16xf32>
    %swap3A_914 = arith.constant 4 : i32
    %swap3A_915 = arith.index_cast %swap3A_914 : i32 to index
    %swap3A_916 = arith.constant 144 : index
    %swap3A_917 = tpu.vector_load %arg5[%swap3A_915, %swap3A_916] {strides = array<i32>} : memref<8x256xf32, #tpu.memory_space<vmem>>, vector<1x16xf32>,
    %swap3A_918 = vector.shape_cast %swap3A_917 : vector<1x16xf32> to vector<16xf32>
    %swap3A_919 = vector.shape_cast %add3A_913 : vector<16xf32> to vector<1x16xf32>
    tpu.vector_store %arg5[%swap3A_915, %swap3A_916], %swap3A_919 {strides = array<i32>} : memref<8x256xf32, #tpu.memory_space<vmem>>, vector<1x16xf32>,
    %slice3A_920 = vector.extract_strided_slice %get3A_6 {offsets = [5], sizes = [1], strides = [1]} : vector<16xf32> to vector<1xf32>
    %squeeze3A_921 = vector.extract %slice3A_920[0] : f32 from vector<1xf32>
    %mul3A_922 = vector.broadcast %squeeze3A_921 : f32 to vector<16xf32>
    %mul3A_923 = arith.mulf %mul3A_922, %sub3A_864 : vector<16xf32>
    %add3A_924 = arith.addf %get3A_860, %mul3A_923 : vector<16xf32>
    %swap3A_925 = arith.constant 5 : i32
    %swap3A_926 = arith.index_cast %swap3A_925 : i32 to index
    %swap3A_927 = arith.constant 144 : index
    %swap3A_928 = tpu.vector_load %arg5[%swap3A_926, %swap3A_927] {strides = array<i32>} : memref<8x256xf32, #tpu.memory_space<vmem>>, vector<1x16xf32>,
    %swap3A_929 = vector.shape_cast %swap3A_928 : vector<1x16xf32> to vector<16xf32>
    %swap3A_930 = vector.shape_cast %add3A_924 : vector<16xf32> to vector<1x16xf32>
    tpu.vector_store %arg5[%swap3A_926, %swap3A_927], %swap3A_930 {strides = array<i32>} : memref<8x256xf32, #tpu.memory_space<vmem>>, vector<1x16xf32>,
    %slice3A_931 = vector.extract_strided_slice %get3A_6 {offsets = [6], sizes = [1], strides = [1]} : vector<16xf32> to vector<1xf32>
    %squeeze3A_932 = vector.extract %slice3A_931[0] : f32 from vector<1xf32>
    %mul3A_933 = vector.broadcast %squeeze3A_932 : f32 to vector<16xf32>
    %mul3A_934 = arith.mulf %mul3A_933, %sub3A_864 : vector<16xf32>
    %add3A_935 = arith.addf %get3A_860, %mul3A_934 : vector<16xf32>
    %swap3A_936 = arith.constant 6 : i32
    %swap3A_937 = arith.index_cast %swap3A_936 : i32 to index
    %swap3A_938 = arith.constant 144 : index
    %swap3A_939 = tpu.vector_load %arg5[%swap3A_937, %swap3A_938] {strides = array<i32>} : memref<8x256xf32, #tpu.memory_space<vmem>>, vector<1x16xf32>,
    %swap3A_940 = vector.shape_cast %swap3A_939 : vector<1x16xf32> to vector<16xf32>
    %swap3A_941 = vector.shape_cast %add3A_935 : vector<16xf32> to vector<1x16xf32>
    tpu.vector_store %arg5[%swap3A_937, %swap3A_938], %swap3A_941 {strides = array<i32>} : memref<8x256xf32, #tpu.memory_space<vmem>>, vector<1x16xf32>,
    %slice3A_942 = vector.extract_strided_slice %get3A_6 {offsets = [7], sizes = [1], strides = [1]} : vector<16xf32> to vector<1xf32>
    %squeeze3A_943 = vector.extract %slice3A_942[0] : f32 from vector<1xf32>
    %mul3A_944 = vector.broadcast %squeeze3A_943 : f32 to vector<16xf32>
    %mul3A_945 = arith.mulf %mul3A_944, %sub3A_864 : vector<16xf32>
    %add3A_946 = arith.addf %get3A_860, %mul3A_945 : vector<16xf32>
    %swap3A_947 = arith.constant 7 : i32
    %swap3A_948 = arith.index_cast %swap3A_947 : i32 to index
    %swap3A_949 = arith.constant 144 : index
    %swap3A_950 = tpu.vector_load %arg5[%swap3A_948, %swap3A_949] {strides = array<i32>} : memref<8x256xf32, #tpu.memory_space<vmem>>, vector<1x16xf32>,
    %swap3A_951 = vector.shape_cast %swap3A_950 : vector<1x16xf32> to vector<16xf32>
    %swap3A_952 = vector.shape_cast %add3A_946 : vector<16xf32> to vector<1x16xf32>
    tpu.vector_store %arg5[%swap3A_948, %swap3A_949], %swap3A_952 {strides = array<i32>} : memref<8x256xf32, #tpu.memory_space<vmem>>, vector<1x16xf32>,
    %get3A_953 = arith.constant 160 : index
    %get3A_954 = tpu.vector_load %arg4[%get3A_953] {strides = array<i32>} : memref<768xf32, #tpu.memory_space<vmem>>, vector<16xf32>,
    %get3A_955 = vector.shape_cast %get3A_954 : vector<16xf32> to vector<16xf32>
    %get3A_956 = arith.constant 416 : index
    %get3A_957 = tpu.vector_load %arg4[%get3A_956] {strides = array<i32>} : memref<768xf32, #tpu.memory_space<vmem>>, vector<16xf32>,
    %get3A_958 = vector.shape_cast %get3A_957 : vector<16xf32> to vector<16xf32>
    %sub3A_959 = arith.subf %get3A_958, %get3A_955 : vector<16xf32>
    %slice3A_960 = vector.extract_strided_slice %get3A_6 {offsets = [0], sizes = [1], strides = [1]} : vector<16xf32> to vector<1xf32>
    %squeeze3A_961 = vector.extract %slice3A_960[0] : f32 from vector<1xf32>
    %mul3A_962 = vector.broadcast %squeeze3A_961 : f32 to vector<16xf32>
    %mul3A_963 = arith.mulf %mul3A_962, %sub3A_959 : vector<16xf32>
    %add3A_964 = arith.addf %get3A_955, %mul3A_963 : vector<16xf32>
    %swap3A_965 = arith.constant 0 : i32
    %swap3A_966 = arith.index_cast %swap3A_965 : i32 to index
    %swap3A_967 = arith.constant 160 : index
    %swap3A_968 = tpu.vector_load %arg5[%swap3A_966, %swap3A_967] {strides = array<i32>} : memref<8x256xf32, #tpu.memory_space<vmem>>, vector<1x16xf32>,
    %swap3A_969 = vector.shape_cast %swap3A_968 : vector<1x16xf32> to vector<16xf32>
    %swap3A_970 = vector.shape_cast %add3A_964 : vector<16xf32> to vector<1x16xf32>
    tpu.vector_store %arg5[%swap3A_966, %swap3A_967], %swap3A_970 {strides = array<i32>} : memref<8x256xf32, #tpu.memory_space<vmem>>, vector<1x16xf32>,
    %slice3A_971 = vector.extract_strided_slice %get3A_6 {offsets = [1], sizes = [1], strides = [1]} : vector<16xf32> to vector<1xf32>
    %squeeze3A_972 = vector.extract %slice3A_971[0] : f32 from vector<1xf32>
    %mul3A_973 = vector.broadcast %squeeze3A_972 : f32 to vector<16xf32>
    %mul3A_974 = arith.mulf %mul3A_973, %sub3A_959 : vector<16xf32>
    %add3A_975 = arith.addf %get3A_955, %mul3A_974 : vector<16xf32>
    %swap3A_976 = arith.constant 1 : i32
    %swap3A_977 = arith.index_cast %swap3A_976 : i32 to index
    %swap3A_978 = arith.constant 160 : index
    %swap3A_979 = tpu.vector_load %arg5[%swap3A_977, %swap3A_978] {strides = array<i32>} : memref<8x256xf32, #tpu.memory_space<vmem>>, vector<1x16xf32>,
    %swap3A_980 = vector.shape_cast %swap3A_979 : vector<1x16xf32> to vector<16xf32>
    %swap3A_981 = vector.shape_cast %add3A_975 : vector<16xf32> to vector<1x16xf32>
    tpu.vector_store %arg5[%swap3A_977, %swap3A_978], %swap3A_981 {strides = array<i32>} : memref<8x256xf32, #tpu.memory_space<vmem>>, vector<1x16xf32>,
    %slice3A_982 = vector.extract_strided_slice %get3A_6 {offsets = [2], sizes = [1], strides = [1]} : vector<16xf32> to vector<1xf32>
    %squeeze3A_983 = vector.extract %slice3A_982[0] : f32 from vector<1xf32>
    %mul3A_984 = vector.broadcast %squeeze3A_983 : f32 to vector<16xf32>
    %mul3A_985 = arith.mulf %mul3A_984, %sub3A_959 : vector<16xf32>
    %add3A_986 = arith.addf %get3A_955, %mul3A_985 : vector<16xf32>
    %swap3A_987 = arith.constant 2 : i32
    %swap3A_988 = arith.index_cast %swap3A_987 : i32 to index
    %swap3A_989 = arith.constant 160 : index
    %swap3A_990 = tpu.vector_load %arg5[%swap3A_988, %swap3A_989] {strides = array<i32>} : memref<8x256xf32, #tpu.memory_space<vmem>>, vector<1x16xf32>,
    %swap3A_991 = vector.shape_cast %swap3A_990 : vector<1x16xf32> to vector<16xf32>
    %swap3A_992 = vector.shape_cast %add3A_986 : vector<16xf32> to vector<1x16xf32>
    tpu.vector_store %arg5[%swap3A_988, %swap3A_989], %swap3A_992 {strides = array<i32>} : memref<8x256xf32, #tpu.memory_space<vmem>>, vector<1x16xf32>,
    %slice3A_993 = vector.extract_strided_slice %get3A_6 {offsets = [3], sizes = [1], strides = [1]} : vector<16xf32> to vector<1xf32>
    %squeeze3A_994 = vector.extract %slice3A_993[0] : f32 from vector<1xf32>
    %mul3A_995 = vector.broadcast %squeeze3A_994 : f32 to vector<16xf32>
    %mul3A_996 = arith.mulf %mul3A_995, %sub3A_959 : vector<16xf32>
    %add3A_997 = arith.addf %get3A_955, %mul3A_996 : vector<16xf32>
    %swap3A_998 = arith.constant 3 : i32
    %swap3A_999 = arith.index_cast %swap3A_998 : i32 to index
    %swap3A_1000 = arith.constant 160 : index
    %swap3A_1001 = tpu.vector_load %arg5[%swap3A_999, %swap3A_1000] {strides = array<i32>} : memref<8x256xf32, #tpu.memory_space<vmem>>, vector<1x16xf32>,
    %swap3A_1002 = vector.shape_cast %swap3A_1001 : vector<1x16xf32> to vector<16xf32>
    %swap3A_1003 = vector.shape_cast %add3A_997 : vector<16xf32> to vector<1x16xf32>
    tpu.vector_store %arg5[%swap3A_999, %swap3A_1000], %swap3A_1003 {strides = array<i32>} : memref<8x256xf32, #tpu.memory_space<vmem>>, vector<1x16xf32>,
    %slice3A_1004 = vector.extract_strided_slice %get3A_6 {offsets = [4], sizes = [1], strides = [1]} : vector<16xf32> to vector<1xf32>
    %squeeze3A_1005 = vector.extract %slice3A_1004[0] : f32 from vector<1xf32>
    %mul3A_1006 = vector.broadcast %squeeze3A_1005 : f32 to vector<16xf32>
    %mul3A_1007 = arith.mulf %mul3A_1006, %sub3A_959 : vector<16xf32>
    %add3A_1008 = arith.addf %get3A_955, %mul3A_1007 : vector<16xf32>
    %swap3A_1009 = arith.constant 4 : i32
    %swap3A_1010 = arith.index_cast %swap3A_1009 : i32 to index
    %swap3A_1011 = arith.constant 160 : index
    %swap3A_1012 = tpu.vector_load %arg5[%swap3A_1010, %swap3A_1011] {strides = array<i32>} : memref<8x256xf32, #tpu.memory_space<vmem>>, vector<1x16xf32>,
    %swap3A_1013 = vector.shape_cast %swap3A_1012 : vector<1x16xf32> to vector<16xf32>
    %swap3A_1014 = vector.shape_cast %add3A_1008 : vector<16xf32> to vector<1x16xf32>
    tpu.vector_store %arg5[%swap3A_1010, %swap3A_1011], %swap3A_1014 {strides = array<i32>} : memref<8x256xf32, #tpu.memory_space<vmem>>, vector<1x16xf32>,
    %slice3A_1015 = vector.extract_strided_slice %get3A_6 {offsets = [5], sizes = [1], strides = [1]} : vector<16xf32> to vector<1xf32>
    %squeeze3A_1016 = vector.extract %slice3A_1015[0] : f32 from vector<1xf32>
    %mul3A_1017 = vector.broadcast %squeeze3A_1016 : f32 to vector<16xf32>
    %mul3A_1018 = arith.mulf %mul3A_1017, %sub3A_959 : vector<16xf32>
    %add3A_1019 = arith.addf %get3A_955, %mul3A_1018 : vector<16xf32>
    %swap3A_1020 = arith.constant 5 : i32
    %swap3A_1021 = arith.index_cast %swap3A_1020 : i32 to index
    %swap3A_1022 = arith.constant 160 : index
    %swap3A_1023 = tpu.vector_load %arg5[%swap3A_1021, %swap3A_1022] {strides = array<i32>} : memref<8x256xf32, #tpu.memory_space<vmem>>, vector<1x16xf32>,
    %swap3A_1024 = vector.shape_cast %swap3A_1023 : vector<1x16xf32> to vector<16xf32>
    %swap3A_1025 = vector.shape_cast %add3A_1019 : vector<16xf32> to vector<1x16xf32>
    tpu.vector_store %arg5[%swap3A_1021, %swap3A_1022], %swap3A_1025 {strides = array<i32>} : memref<8x256xf32, #tpu.memory_space<vmem>>, vector<1x16xf32>,
    %slice3A_1026 = vector.extract_strided_slice %get3A_6 {offsets = [6], sizes = [1], strides = [1]} : vector<16xf32> to vector<1xf32>
    %squeeze3A_1027 = vector.extract %slice3A_1026[0] : f32 from vector<1xf32>
    %mul3A_1028 = vector.broadcast %squeeze3A_1027 : f32 to vector<16xf32>
    %mul3A_1029 = arith.mulf %mul3A_1028, %sub3A_959 : vector<16xf32>
    %add3A_1030 = arith.addf %get3A_955, %mul3A_1029 : vector<16xf32>
    %swap3A_1031 = arith.constant 6 : i32
    %swap3A_1032 = arith.index_cast %swap3A_1031 : i32 to index
    %swap3A_1033 = arith.constant 160 : index
    %swap3A_1034 = tpu.vector_load %arg5[%swap3A_1032, %swap3A_1033] {strides = array<i32>} : memref<8x256xf32, #tpu.memory_space<vmem>>, vector<1x16xf32>,
    %swap3A_1035 = vector.shape_cast %swap3A_1034 : vector<1x16xf32> to vector<16xf32>
    %swap3A_1036 = vector.shape_cast %add3A_1030 : vector<16xf32> to vector<1x16xf32>
    tpu.vector_store %arg5[%swap3A_1032, %swap3A_1033], %swap3A_1036 {strides = array<i32>} : memref<8x256xf32, #tpu.memory_space<vmem>>, vector<1x16xf32>,
    %slice3A_1037 = vector.extract_strided_slice %get3A_6 {offsets = [7], sizes = [1], strides = [1]} : vector<16xf32> to vector<1xf32>
    %squeeze3A_1038 = vector.extract %slice3A_1037[0] : f32 from vector<1xf32>
    %mul3A_1039 = vector.broadcast %squeeze3A_1038 : f32 to vector<16xf32>
    %mul3A_1040 = arith.mulf %mul3A_1039, %sub3A_959 : vector<16xf32>
    %add3A_1041 = arith.addf %get3A_955, %mul3A_1040 : vector<16xf32>
    %swap3A_1042 = arith.constant 7 : i32
    %swap3A_1043 = arith.index_cast %swap3A_1042 : i32 to index
    %swap3A_1044 = arith.constant 160 : index
    %swap3A_1045 = tpu.vector_load %arg5[%swap3A_1043, %swap3A_1044] {strides = array<i32>} : memref<8x256xf32, #tpu.memory_space<vmem>>, vector<1x16xf32>,
    %swap3A_1046 = vector.shape_cast %swap3A_1045 : vector<1x16xf32> to vector<16xf32>
    %swap3A_1047 = vector.shape_cast %add3A_1041 : vector<16xf32> to vector<1x16xf32>
    tpu.vector_store %arg5[%swap3A_1043, %swap3A_1044], %swap3A_1047 {strides = array<i32>} : memref<8x256xf32, #tpu.memory_space<vmem>>, vector<1x16xf32>,
    %get3A_1048 = arith.constant 176 : index
    %get3A_1049 = tpu.vector_load %arg4[%get3A_1048] {strides = array<i32>} : memref<768xf32, #tpu.memory_space<vmem>>, vector<16xf32>,
    %get3A_1050 = vector.shape_cast %get3A_1049 : vector<16xf32> to vector<16xf32>
    %get3A_1051 = arith.constant 432 : index
    %get3A_1052 = tpu.vector_load %arg4[%get3A_1051] {strides = array<i32>} : memref<768xf32, #tpu.memory_space<vmem>>, vector<16xf32>,
    %get3A_1053 = vector.shape_cast %get3A_1052 : vector<16xf32> to vector<16xf32>
    %sub3A_1054 = arith.subf %get3A_1053, %get3A_1050 : vector<16xf32>
    %slice3A_1055 = vector.extract_strided_slice %get3A_6 {offsets = [0], sizes = [1], strides = [1]} : vector<16xf32> to vector<1xf32>
    %squeeze3A_1056 = vector.extract %slice3A_1055[0] : f32 from vector<1xf32>
    %mul3A_1057 = vector.broadcast %squeeze3A_1056 : f32 to vector<16xf32>
    %mul3A_1058 = arith.mulf %mul3A_1057, %sub3A_1054 : vector<16xf32>
    %add3A_1059 = arith.addf %get3A_1050, %mul3A_1058 : vector<16xf32>
    %swap3A_1060 = arith.constant 0 : i32
    %swap3A_1061 = arith.index_cast %swap3A_1060 : i32 to index
    %swap3A_1062 = arith.constant 176 : index
    %swap3A_1063 = tpu.vector_load %arg5[%swap3A_1061, %swap3A_1062] {strides = array<i32>} : memref<8x256xf32, #tpu.memory_space<vmem>>, vector<1x16xf32>,
    %swap3A_1064 = vector.shape_cast %swap3A_1063 : vector<1x16xf32> to vector<16xf32>
    %swap3A_1065 = vector.shape_cast %add3A_1059 : vector<16xf32> to vector<1x16xf32>
    tpu.vector_store %arg5[%swap3A_1061, %swap3A_1062], %swap3A_1065 {strides = array<i32>} : memref<8x256xf32, #tpu.memory_space<vmem>>, vector<1x16xf32>,
    %slice3A_1066 = vector.extract_strided_slice %get3A_6 {offsets = [1], sizes = [1], strides = [1]} : vector<16xf32> to vector<1xf32>
    %squeeze3A_1067 = vector.extract %slice3A_1066[0] : f32 from vector<1xf32>
    %mul3A_1068 = vector.broadcast %squeeze3A_1067 : f32 to vector<16xf32>
    %mul3A_1069 = arith.mulf %mul3A_1068, %sub3A_1054 : vector<16xf32>
    %add3A_1070 = arith.addf %get3A_1050, %mul3A_1069 : vector<16xf32>
    %swap3A_1071 = arith.constant 1 : i32
    %swap3A_1072 = arith.index_cast %swap3A_1071 : i32 to index
    %swap3A_1073 = arith.constant 176 : index
    %swap3A_1074 = tpu.vector_load %arg5[%swap3A_1072, %swap3A_1073] {strides = array<i32>} : memref<8x256xf32, #tpu.memory_space<vmem>>, vector<1x16xf32>,
    %swap3A_1075 = vector.shape_cast %swap3A_1074 : vector<1x16xf32> to vector<16xf32>
    %swap3A_1076 = vector.shape_cast %add3A_1070 : vector<16xf32> to vector<1x16xf32>
    tpu.vector_store %arg5[%swap3A_1072, %swap3A_1073], %swap3A_1076 {strides = array<i32>} : memref<8x256xf32, #tpu.memory_space<vmem>>, vector<1x16xf32>,
    %slice3A_1077 = vector.extract_strided_slice %get3A_6 {offsets = [2], sizes = [1], strides = [1]} : vector<16xf32> to vector<1xf32>
    %squeeze3A_1078 = vector.extract %slice3A_1077[0] : f32 from vector<1xf32>
    %mul3A_1079 = vector.broadcast %squeeze3A_1078 : f32 to vector<16xf32>
    %mul3A_1080 = arith.mulf %mul3A_1079, %sub3A_1054 : vector<16xf32>
    %add3A_1081 = arith.addf %get3A_1050, %mul3A_1080 : vector<16xf32>
    %swap3A_1082 = arith.constant 2 : i32
    %swap3A_1083 = arith.index_cast %swap3A_1082 : i32 to index
    %swap3A_1084 = arith.constant 176 : index
    %swap3A_1085 = tpu.vector_load %arg5[%swap3A_1083, %swap3A_1084] {strides = array<i32>} : memref<8x256xf32, #tpu.memory_space<vmem>>, vector<1x16xf32>,
    %swap3A_1086 = vector.shape_cast %swap3A_1085 : vector<1x16xf32> to vector<16xf32>
    %swap3A_1087 = vector.shape_cast %add3A_1081 : vector<16xf32> to vector<1x16xf32>
    tpu.vector_store %arg5[%swap3A_1083, %swap3A_1084], %swap3A_1087 {strides = array<i32>} : memref<8x256xf32, #tpu.memory_space<vmem>>, vector<1x16xf32>,
    %slice3A_1088 = vector.extract_strided_slice %get3A_6 {offsets = [3], sizes = [1], strides = [1]} : vector<16xf32> to vector<1xf32>
    %squeeze3A_1089 = vector.extract %slice3A_1088[0] : f32 from vector<1xf32>
    %mul3A_1090 = vector.broadcast %squeeze3A_1089 : f32 to vector<16xf32>
    %mul3A_1091 = arith.mulf %mul3A_1090, %sub3A_1054 : vector<16xf32>
    %add3A_1092 = arith.addf %get3A_1050, %mul3A_1091 : vector<16xf32>
    %swap3A_1093 = arith.constant 3 : i32
    %swap3A_1094 = arith.index_cast %swap3A_1093 : i32 to index
    %swap3A_1095 = arith.constant 176 : index
    %swap3A_1096 = tpu.vector_load %arg5[%swap3A_1094, %swap3A_1095] {strides = array<i32>} : memref<8x256xf32, #tpu.memory_space<vmem>>, vector<1x16xf32>,
    %swap3A_1097 = vector.shape_cast %swap3A_1096 : vector<1x16xf32> to vector<16xf32>
    %swap3A_1098 = vector.shape_cast %add3A_1092 : vector<16xf32> to vector<1x16xf32>
    tpu.vector_store %arg5[%swap3A_1094, %swap3A_1095], %swap3A_1098 {strides = array<i32>} : memref<8x256xf32, #tpu.memory_space<vmem>>, vector<1x16xf32>,
    %slice3A_1099 = vector.extract_strided_slice %get3A_6 {offsets = [4], sizes = [1], strides = [1]} : vector<16xf32> to vector<1xf32>
    %squeeze3A_1100 = vector.extract %slice3A_1099[0] : f32 from vector<1xf32>
    %mul3A_1101 = vector.broadcast %squeeze3A_1100 : f32 to vector<16xf32>
    %mul3A_1102 = arith.mulf %mul3A_1101, %sub3A_1054 : vector<16xf32>
    %add3A_1103 = arith.addf %get3A_1050, %mul3A_1102 : vector<16xf32>
    %swap3A_1104 = arith.constant 4 : i32
    %swap3A_1105 = arith.index_cast %swap3A_1104 : i32 to index
    %swap3A_1106 = arith.constant 176 : index
    %swap3A_1107 = tpu.vector_load %arg5[%swap3A_1105, %swap3A_1106] {strides = array<i32>} : memref<8x256xf32, #tpu.memory_space<vmem>>, vector<1x16xf32>,
    %swap3A_1108 = vector.shape_cast %swap3A_1107 : vector<1x16xf32> to vector<16xf32>
    %swap3A_1109 = vector.shape_cast %add3A_1103 : vector<16xf32> to vector<1x16xf32>
    tpu.vector_store %arg5[%swap3A_1105, %swap3A_1106], %swap3A_1109 {strides = array<i32>} : memref<8x256xf32, #tpu.memory_space<vmem>>, vector<1x16xf32>,
    %slice3A_1110 = vector.extract_strided_slice %get3A_6 {offsets = [5], sizes = [1], strides = [1]} : vector<16xf32> to vector<1xf32>
    %squeeze3A_1111 = vector.extract %slice3A_1110[0] : f32 from vector<1xf32>
    %mul3A_1112 = vector.broadcast %squeeze3A_1111 : f32 to vector<16xf32>
    %mul3A_1113 = arith.mulf %mul3A_1112, %sub3A_1054 : vector<16xf32>
    %add3A_1114 = arith.addf %get3A_1050, %mul3A_1113 : vector<16xf32>
    %swap3A_1115 = arith.constant 5 : i32
    %swap3A_1116 = arith.index_cast %swap3A_1115 : i32 to index
    %swap3A_1117 = arith.constant 176 : index
    %swap3A_1118 = tpu.vector_load %arg5[%swap3A_1116, %swap3A_1117] {strides = array<i32>} : memref<8x256xf32, #tpu.memory_space<vmem>>, vector<1x16xf32>,
    %swap3A_1119 = vector.shape_cast %swap3A_1118 : vector<1x16xf32> to vector<16xf32>
    %swap3A_1120 = vector.shape_cast %add3A_1114 : vector<16xf32> to vector<1x16xf32>
    tpu.vector_store %arg5[%swap3A_1116, %swap3A_1117], %swap3A_1120 {strides = array<i32>} : memref<8x256xf32, #tpu.memory_space<vmem>>, vector<1x16xf32>,
    %slice3A_1121 = vector.extract_strided_slice %get3A_6 {offsets = [6], sizes = [1], strides = [1]} : vector<16xf32> to vector<1xf32>
    %squeeze3A_1122 = vector.extract %slice3A_1121[0] : f32 from vector<1xf32>
    %mul3A_1123 = vector.broadcast %squeeze3A_1122 : f32 to vector<16xf32>
    %mul3A_1124 = arith.mulf %mul3A_1123, %sub3A_1054 : vector<16xf32>
    %add3A_1125 = arith.addf %get3A_1050, %mul3A_1124 : vector<16xf32>
    %swap3A_1126 = arith.constant 6 : i32
    %swap3A_1127 = arith.index_cast %swap3A_1126 : i32 to index
    %swap3A_1128 = arith.constant 176 : index
    %swap3A_1129 = tpu.vector_load %arg5[%swap3A_1127, %swap3A_1128] {strides = array<i32>} : memref<8x256xf32, #tpu.memory_space<vmem>>, vector<1x16xf32>,
    %swap3A_1130 = vector.shape_cast %swap3A_1129 : vector<1x16xf32> to vector<16xf32>
    %swap3A_1131 = vector.shape_cast %add3A_1125 : vector<16xf32> to vector<1x16xf32>
    tpu.vector_store %arg5[%swap3A_1127, %swap3A_1128], %swap3A_1131 {strides = array<i32>} : memref<8x256xf32, #tpu.memory_space<vmem>>, vector<1x16xf32>,
    %slice3A_1132 = vector.extract_strided_slice %get3A_6 {offsets = [7], sizes = [1], strides = [1]} : vector<16xf32> to vector<1xf32>
    %squeeze3A_1133 = vector.extract %slice3A_1132[0] : f32 from vector<1xf32>
    %mul3A_1134 = vector.broadcast %squeeze3A_1133 : f32 to vector<16xf32>
    %mul3A_1135 = arith.mulf %mul3A_1134, %sub3A_1054 : vector<16xf32>
    %add3A_1136 = arith.addf %get3A_1050, %mul3A_1135 : vector<16xf32>
    %swap3A_1137 = arith.constant 7 : i32
    %swap3A_1138 = arith.index_cast %swap3A_1137 : i32 to index
    %swap3A_1139 = arith.constant 176 : index
    %swap3A_1140 = tpu.vector_load %arg5[%swap3A_1138, %swap3A_1139] {strides = array<i32>} : memref<8x256xf32, #tpu.memory_space<vmem>>, vector<1x16xf32>,
    %swap3A_1141 = vector.shape_cast %swap3A_1140 : vector<1x16xf32> to vector<16xf32>
    %swap3A_1142 = vector.shape_cast %add3A_1136 : vector<16xf32> to vector<1x16xf32>
    tpu.vector_store %arg5[%swap3A_1138, %swap3A_1139], %swap3A_1142 {strides = array<i32>} : memref<8x256xf32, #tpu.memory_space<vmem>>, vector<1x16xf32>,
    %get3A_1143 = arith.constant 192 : index
    %get3A_1144 = tpu.vector_load %arg4[%get3A_1143] {strides = array<i32>} : memref<768xf32, #tpu.memory_space<vmem>>, vector<16xf32>,
    %get3A_1145 = vector.shape_cast %get3A_1144 : vector<16xf32> to vector<16xf32>
    %get3A_1146 = arith.constant 448 : index
    %get3A_1147 = tpu.vector_load %arg4[%get3A_1146] {strides = array<i32>} : memref<768xf32, #tpu.memory_space<vmem>>, vector<16xf32>,
    %get3A_1148 = vector.shape_cast %get3A_1147 : vector<16xf32> to vector<16xf32>
    %sub3A_1149 = arith.subf %get3A_1148, %get3A_1145 : vector<16xf32>
    %slice3A_1150 = vector.extract_strided_slice %get3A_6 {offsets = [0], sizes = [1], strides = [1]} : vector<16xf32> to vector<1xf32>
    %squeeze3A_1151 = vector.extract %slice3A_1150[0] : f32 from vector<1xf32>
    %mul3A_1152 = vector.broadcast %squeeze3A_1151 : f32 to vector<16xf32>
    %mul3A_1153 = arith.mulf %mul3A_1152, %sub3A_1149 : vector<16xf32>
    %add3A_1154 = arith.addf %get3A_1145, %mul3A_1153 : vector<16xf32>
    %swap3A_1155 = arith.constant 0 : i32
    %swap3A_1156 = arith.index_cast %swap3A_1155 : i32 to index
    %swap3A_1157 = arith.constant 192 : index
    %swap3A_1158 = tpu.vector_load %arg5[%swap3A_1156, %swap3A_1157] {strides = array<i32>} : memref<8x256xf32, #tpu.memory_space<vmem>>, vector<1x16xf32>,
    %swap3A_1159 = vector.shape_cast %swap3A_1158 : vector<1x16xf32> to vector<16xf32>
    %swap3A_1160 = vector.shape_cast %add3A_1154 : vector<16xf32> to vector<1x16xf32>
    tpu.vector_store %arg5[%swap3A_1156, %swap3A_1157], %swap3A_1160 {strides = array<i32>} : memref<8x256xf32, #tpu.memory_space<vmem>>, vector<1x16xf32>,
    %slice3A_1161 = vector.extract_strided_slice %get3A_6 {offsets = [1], sizes = [1], strides = [1]} : vector<16xf32> to vector<1xf32>
    %squeeze3A_1162 = vector.extract %slice3A_1161[0] : f32 from vector<1xf32>
    %mul3A_1163 = vector.broadcast %squeeze3A_1162 : f32 to vector<16xf32>
    %mul3A_1164 = arith.mulf %mul3A_1163, %sub3A_1149 : vector<16xf32>
    %add3A_1165 = arith.addf %get3A_1145, %mul3A_1164 : vector<16xf32>
    %swap3A_1166 = arith.constant 1 : i32
    %swap3A_1167 = arith.index_cast %swap3A_1166 : i32 to index
    %swap3A_1168 = arith.constant 192 : index
    %swap3A_1169 = tpu.vector_load %arg5[%swap3A_1167, %swap3A_1168] {strides = array<i32>} : memref<8x256xf32, #tpu.memory_space<vmem>>, vector<1x16xf32>,
    %swap3A_1170 = vector.shape_cast %swap3A_1169 : vector<1x16xf32> to vector<16xf32>
    %swap3A_1171 = vector.shape_cast %add3A_1165 : vector<16xf32> to vector<1x16xf32>
    tpu.vector_store %arg5[%swap3A_1167, %swap3A_1168], %swap3A_1171 {strides = array<i32>} : memref<8x256xf32, #tpu.memory_space<vmem>>, vector<1x16xf32>,
    %slice3A_1172 = vector.extract_strided_slice %get3A_6 {offsets = [2], sizes = [1], strides = [1]} : vector<16xf32> to vector<1xf32>
    %squeeze3A_1173 = vector.extract %slice3A_1172[0] : f32 from vector<1xf32>
    %mul3A_1174 = vector.broadcast %squeeze3A_1173 : f32 to vector<16xf32>
    %mul3A_1175 = arith.mulf %mul3A_1174, %sub3A_1149 : vector<16xf32>
    %add3A_1176 = arith.addf %get3A_1145, %mul3A_1175 : vector<16xf32>
    %swap3A_1177 = arith.constant 2 : i32
    %swap3A_1178 = arith.index_cast %swap3A_1177 : i32 to index
    %swap3A_1179 = arith.constant 192 : index
    %swap3A_1180 = tpu.vector_load %arg5[%swap3A_1178, %swap3A_1179] {strides = array<i32>} : memref<8x256xf32, #tpu.memory_space<vmem>>, vector<1x16xf32>,
    %swap3A_1181 = vector.shape_cast %swap3A_1180 : vector<1x16xf32> to vector<16xf32>
    %swap3A_1182 = vector.shape_cast %add3A_1176 : vector<16xf32> to vector<1x16xf32>
    tpu.vector_store %arg5[%swap3A_1178, %swap3A_1179], %swap3A_1182 {strides = array<i32>} : memref<8x256xf32, #tpu.memory_space<vmem>>, vector<1x16xf32>,
    %slice3A_1183 = vector.extract_strided_slice %get3A_6 {offsets = [3], sizes = [1], strides = [1]} : vector<16xf32> to vector<1xf32>
    %squeeze3A_1184 = vector.extract %slice3A_1183[0] : f32 from vector<1xf32>
    %mul3A_1185 = vector.broadcast %squeeze3A_1184 : f32 to vector<16xf32>
    %mul3A_1186 = arith.mulf %mul3A_1185, %sub3A_1149 : vector<16xf32>
    %add3A_1187 = arith.addf %get3A_1145, %mul3A_1186 : vector<16xf32>
    %swap3A_1188 = arith.constant 3 : i32
    %swap3A_1189 = arith.index_cast %swap3A_1188 : i32 to index
    %swap3A_1190 = arith.constant 192 : index
    %swap3A_1191 = tpu.vector_load %arg5[%swap3A_1189, %swap3A_1190] {strides = array<i32>} : memref<8x256xf32, #tpu.memory_space<vmem>>, vector<1x16xf32>,
    %swap3A_1192 = vector.shape_cast %swap3A_1191 : vector<1x16xf32> to vector<16xf32>
    %swap3A_1193 = vector.shape_cast %add3A_1187 : vector<16xf32> to vector<1x16xf32>
    tpu.vector_store %arg5[%swap3A_1189, %swap3A_1190], %swap3A_1193 {strides = array<i32>} : memref<8x256xf32, #tpu.memory_space<vmem>>, vector<1x16xf32>,
    %slice3A_1194 = vector.extract_strided_slice %get3A_6 {offsets = [4], sizes = [1], strides = [1]} : vector<16xf32> to vector<1xf32>
    %squeeze3A_1195 = vector.extract %slice3A_1194[0] : f32 from vector<1xf32>
    %mul3A_1196 = vector.broadcast %squeeze3A_1195 : f32 to vector<16xf32>
    %mul3A_1197 = arith.mulf %mul3A_1196, %sub3A_1149 : vector<16xf32>
    %add3A_1198 = arith.addf %get3A_1145, %mul3A_1197 : vector<16xf32>
    %swap3A_1199 = arith.constant 4 : i32
    %swap3A_1200 = arith.index_cast %swap3A_1199 : i32 to index
    %swap3A_1201 = arith.constant 192 : index
    %swap3A_1202 = tpu.vector_load %arg5[%swap3A_1200, %swap3A_1201] {strides = array<i32>} : memref<8x256xf32, #tpu.memory_space<vmem>>, vector<1x16xf32>,
    %swap3A_1203 = vector.shape_cast %swap3A_1202 : vector<1x16xf32> to vector<16xf32>
    %swap3A_1204 = vector.shape_cast %add3A_1198 : vector<16xf32> to vector<1x16xf32>
    tpu.vector_store %arg5[%swap3A_1200, %swap3A_1201], %swap3A_1204 {strides = array<i32>} : memref<8x256xf32, #tpu.memory_space<vmem>>, vector<1x16xf32>,
    %slice3A_1205 = vector.extract_strided_slice %get3A_6 {offsets = [5], sizes = [1], strides = [1]} : vector<16xf32> to vector<1xf32>
    %squeeze3A_1206 = vector.extract %slice3A_1205[0] : f32 from vector<1xf32>
    %mul3A_1207 = vector.broadcast %squeeze3A_1206 : f32 to vector<16xf32>
    %mul3A_1208 = arith.mulf %mul3A_1207, %sub3A_1149 : vector<16xf32>
    %add3A_1209 = arith.addf %get3A_1145, %mul3A_1208 : vector<16xf32>
    %swap3A_1210 = arith.constant 5 : i32
    %swap3A_1211 = arith.index_cast %swap3A_1210 : i32 to index
    %swap3A_1212 = arith.constant 192 : index
    %swap3A_1213 = tpu.vector_load %arg5[%swap3A_1211, %swap3A_1212] {strides = array<i32>} : memref<8x256xf32, #tpu.memory_space<vmem>>, vector<1x16xf32>,
    %swap3A_1214 = vector.shape_cast %swap3A_1213 : vector<1x16xf32> to vector<16xf32>
    %swap3A_1215 = vector.shape_cast %add3A_1209 : vector<16xf32> to vector<1x16xf32>
    tpu.vector_store %arg5[%swap3A_1211, %swap3A_1212], %swap3A_1215 {strides = array<i32>} : memref<8x256xf32, #tpu.memory_space<vmem>>, vector<1x16xf32>,
    %slice3A_1216 = vector.extract_strided_slice %get3A_6 {offsets = [6], sizes = [1], strides = [1]} : vector<16xf32> to vector<1xf32>
    %squeeze3A_1217 = vector.extract %slice3A_1216[0] : f32 from vector<1xf32>
    %mul3A_1218 = vector.broadcast %squeeze3A_1217 : f32 to vector<16xf32>
    %mul3A_1219 = arith.mulf %mul3A_1218, %sub3A_1149 : vector<16xf32>
    %add3A_1220 = arith.addf %get3A_1145, %mul3A_1219 : vector<16xf32>
    %swap3A_1221 = arith.constant 6 : i32
    %swap3A_1222 = arith.index_cast %swap3A_1221 : i32 to index
    %swap3A_1223 = arith.constant 192 : index
    %swap3A_1224 = tpu.vector_load %arg5[%swap3A_1222, %swap3A_1223] {strides = array<i32>} : memref<8x256xf32, #tpu.memory_space<vmem>>, vector<1x16xf32>,
    %swap3A_1225 = vector.shape_cast %swap3A_1224 : vector<1x16xf32> to vector<16xf32>
    %swap3A_1226 = vector.shape_cast %add3A_1220 : vector<16xf32> to vector<1x16xf32>
    tpu.vector_store %arg5[%swap3A_1222, %swap3A_1223], %swap3A_1226 {strides = array<i32>} : memref<8x256xf32, #tpu.memory_space<vmem>>, vector<1x16xf32>,
    %slice3A_1227 = vector.extract_strided_slice %get3A_6 {offsets = [7], sizes = [1], strides = [1]} : vector<16xf32> to vector<1xf32>
    %squeeze3A_1228 = vector.extract %slice3A_1227[0] : f32 from vector<1xf32>
    %mul3A_1229 = vector.broadcast %squeeze3A_1228 : f32 to vector<16xf32>
    %mul3A_1230 = arith.mulf %mul3A_1229, %sub3A_1149 : vector<16xf32>
    %add3A_1231 = arith.addf %get3A_1145, %mul3A_1230 : vector<16xf32>
    %swap3A_1232 = arith.constant 7 : i32
    %swap3A_1233 = arith.index_cast %swap3A_1232 : i32 to index
    %swap3A_1234 = arith.constant 192 : index
    %swap3A_1235 = tpu.vector_load %arg5[%swap3A_1233, %swap3A_1234] {strides = array<i32>} : memref<8x256xf32, #tpu.memory_space<vmem>>, vector<1x16xf32>,
    %swap3A_1236 = vector.shape_cast %swap3A_1235 : vector<1x16xf32> to vector<16xf32>
    %swap3A_1237 = vector.shape_cast %add3A_1231 : vector<16xf32> to vector<1x16xf32>
    tpu.vector_store %arg5[%swap3A_1233, %swap3A_1234], %swap3A_1237 {strides = array<i32>} : memref<8x256xf32, #tpu.memory_space<vmem>>, vector<1x16xf32>,
    %get3A_1238 = arith.constant 208 : index
    %get3A_1239 = tpu.vector_load %arg4[%get3A_1238] {strides = array<i32>} : memref<768xf32, #tpu.memory_space<vmem>>, vector<16xf32>,
    %get3A_1240 = vector.shape_cast %get3A_1239 : vector<16xf32> to vector<16xf32>
    %get3A_1241 = arith.constant 464 : index
    %get3A_1242 = tpu.vector_load %arg4[%get3A_1241] {strides = array<i32>} : memref<768xf32, #tpu.memory_space<vmem>>, vector<16xf32>,
    %get3A_1243 = vector.shape_cast %get3A_1242 : vector<16xf32> to vector<16xf32>
    %sub3A_1244 = arith.subf %get3A_1243, %get3A_1240 : vector<16xf32>
    %slice3A_1245 = vector.extract_strided_slice %get3A_6 {offsets = [0], sizes = [1], strides = [1]} : vector<16xf32> to vector<1xf32>
    %squeeze3A_1246 = vector.extract %slice3A_1245[0] : f32 from vector<1xf32>
    %mul3A_1247 = vector.broadcast %squeeze3A_1246 : f32 to vector<16xf32>
    %mul3A_1248 = arith.mulf %mul3A_1247, %sub3A_1244 : vector<16xf32>
    %add3A_1249 = arith.addf %get3A_1240, %mul3A_1248 : vector<16xf32>
    %swap3A_1250 = arith.constant 0 : i32
    %swap3A_1251 = arith.index_cast %swap3A_1250 : i32 to index
    %swap3A_1252 = arith.constant 208 : index
    %swap3A_1253 = tpu.vector_load %arg5[%swap3A_1251, %swap3A_1252] {strides = array<i32>} : memref<8x256xf32, #tpu.memory_space<vmem>>, vector<1x16xf32>,
    %swap3A_1254 = vector.shape_cast %swap3A_1253 : vector<1x16xf32> to vector<16xf32>
    %swap3A_1255 = vector.shape_cast %add3A_1249 : vector<16xf32> to vector<1x16xf32>
    tpu.vector_store %arg5[%swap3A_1251, %swap3A_1252], %swap3A_1255 {strides = array<i32>} : memref<8x256xf32, #tpu.memory_space<vmem>>, vector<1x16xf32>,
    %slice3A_1256 = vector.extract_strided_slice %get3A_6 {offsets = [1], sizes = [1], strides = [1]} : vector<16xf32> to vector<1xf32>
    %squeeze3A_1257 = vector.extract %slice3A_1256[0] : f32 from vector<1xf32>
    %mul3A_1258 = vector.broadcast %squeeze3A_1257 : f32 to vector<16xf32>
    %mul3A_1259 = arith.mulf %mul3A_1258, %sub3A_1244 : vector<16xf32>
    %add3A_1260 = arith.addf %get3A_1240, %mul3A_1259 : vector<16xf32>
    %swap3A_1261 = arith.constant 1 : i32
    %swap3A_1262 = arith.index_cast %swap3A_1261 : i32 to index
    %swap3A_1263 = arith.constant 208 : index
    %swap3A_1264 = tpu.vector_load %arg5[%swap3A_1262, %swap3A_1263] {strides = array<i32>} : memref<8x256xf32, #tpu.memory_space<vmem>>, vector<1x16xf32>,
    %swap3A_1265 = vector.shape_cast %swap3A_1264 : vector<1x16xf32> to vector<16xf32>
    %swap3A_1266 = vector.shape_cast %add3A_1260 : vector<16xf32> to vector<1x16xf32>
    tpu.vector_store %arg5[%swap3A_1262, %swap3A_1263], %swap3A_1266 {strides = array<i32>} : memref<8x256xf32, #tpu.memory_space<vmem>>, vector<1x16xf32>,
    %slice3A_1267 = vector.extract_strided_slice %get3A_6 {offsets = [2], sizes = [1], strides = [1]} : vector<16xf32> to vector<1xf32>
    %squeeze3A_1268 = vector.extract %slice3A_1267[0] : f32 from vector<1xf32>
    %mul3A_1269 = vector.broadcast %squeeze3A_1268 : f32 to vector<16xf32>
    %mul3A_1270 = arith.mulf %mul3A_1269, %sub3A_1244 : vector<16xf32>
    %add3A_1271 = arith.addf %get3A_1240, %mul3A_1270 : vector<16xf32>
    %swap3A_1272 = arith.constant 2 : i32
    %swap3A_1273 = arith.index_cast %swap3A_1272 : i32 to index
    %swap3A_1274 = arith.constant 208 : index
    %swap3A_1275 = tpu.vector_load %arg5[%swap3A_1273, %swap3A_1274] {strides = array<i32>} : memref<8x256xf32, #tpu.memory_space<vmem>>, vector<1x16xf32>,
    %swap3A_1276 = vector.shape_cast %swap3A_1275 : vector<1x16xf32> to vector<16xf32>
    %swap3A_1277 = vector.shape_cast %add3A_1271 : vector<16xf32> to vector<1x16xf32>
    tpu.vector_store %arg5[%swap3A_1273, %swap3A_1274], %swap3A_1277 {strides = array<i32>} : memref<8x256xf32, #tpu.memory_space<vmem>>, vector<1x16xf32>,
    %slice3A_1278 = vector.extract_strided_slice %get3A_6 {offsets = [3], sizes = [1], strides = [1]} : vector<16xf32> to vector<1xf32>
    %squeeze3A_1279 = vector.extract %slice3A_1278[0] : f32 from vector<1xf32>
    %mul3A_1280 = vector.broadcast %squeeze3A_1279 : f32 to vector<16xf32>
    %mul3A_1281 = arith.mulf %mul3A_1280, %sub3A_1244 : vector<16xf32>
    %add3A_1282 = arith.addf %get3A_1240, %mul3A_1281 : vector<16xf32>
    %swap3A_1283 = arith.constant 3 : i32
    %swap3A_1284 = arith.index_cast %swap3A_1283 : i32 to index
    %swap3A_1285 = arith.constant 208 : index
    %swap3A_1286 = tpu.vector_load %arg5[%swap3A_1284, %swap3A_1285] {strides = array<i32>} : memref<8x256xf32, #tpu.memory_space<vmem>>, vector<1x16xf32>,
    %swap3A_1287 = vector.shape_cast %swap3A_1286 : vector<1x16xf32> to vector<16xf32>
    %swap3A_1288 = vector.shape_cast %add3A_1282 : vector<16xf32> to vector<1x16xf32>
    tpu.vector_store %arg5[%swap3A_1284, %swap3A_1285], %swap3A_1288 {strides = array<i32>} : memref<8x256xf32, #tpu.memory_space<vmem>>, vector<1x16xf32>,
    %slice3A_1289 = vector.extract_strided_slice %get3A_6 {offsets = [4], sizes = [1], strides = [1]} : vector<16xf32> to vector<1xf32>
    %squeeze3A_1290 = vector.extract %slice3A_1289[0] : f32 from vector<1xf32>
    %mul3A_1291 = vector.broadcast %squeeze3A_1290 : f32 to vector<16xf32>
    %mul3A_1292 = arith.mulf %mul3A_1291, %sub3A_1244 : vector<16xf32>
    %add3A_1293 = arith.addf %get3A_1240, %mul3A_1292 : vector<16xf32>
    %swap3A_1294 = arith.constant 4 : i32
    %swap3A_1295 = arith.index_cast %swap3A_1294 : i32 to index
    %swap3A_1296 = arith.constant 208 : index
    %swap3A_1297 = tpu.vector_load %arg5[%swap3A_1295, %swap3A_1296] {strides = array<i32>} : memref<8x256xf32, #tpu.memory_space<vmem>>, vector<1x16xf32>,
    %swap3A_1298 = vector.shape_cast %swap3A_1297 : vector<1x16xf32> to vector<16xf32>
    %swap3A_1299 = vector.shape_cast %add3A_1293 : vector<16xf32> to vector<1x16xf32>
    tpu.vector_store %arg5[%swap3A_1295, %swap3A_1296], %swap3A_1299 {strides = array<i32>} : memref<8x256xf32, #tpu.memory_space<vmem>>, vector<1x16xf32>,
    %slice3A_1300 = vector.extract_strided_slice %get3A_6 {offsets = [5], sizes = [1], strides = [1]} : vector<16xf32> to vector<1xf32>
    %squeeze3A_1301 = vector.extract %slice3A_1300[0] : f32 from vector<1xf32>
    %mul3A_1302 = vector.broadcast %squeeze3A_1301 : f32 to vector<16xf32>
    %mul3A_1303 = arith.mulf %mul3A_1302, %sub3A_1244 : vector<16xf32>
    %add3A_1304 = arith.addf %get3A_1240, %mul3A_1303 : vector<16xf32>
    %swap3A_1305 = arith.constant 5 : i32
    %swap3A_1306 = arith.index_cast %swap3A_1305 : i32 to index
    %swap3A_1307 = arith.constant 208 : index
    %swap3A_1308 = tpu.vector_load %arg5[%swap3A_1306, %swap3A_1307] {strides = array<i32>} : memref<8x256xf32, #tpu.memory_space<vmem>>, vector<1x16xf32>,
    %swap3A_1309 = vector.shape_cast %swap3A_1308 : vector<1x16xf32> to vector<16xf32>
    %swap3A_1310 = vector.shape_cast %add3A_1304 : vector<16xf32> to vector<1x16xf32>
    tpu.vector_store %arg5[%swap3A_1306, %swap3A_1307], %swap3A_1310 {strides = array<i32>} : memref<8x256xf32, #tpu.memory_space<vmem>>, vector<1x16xf32>,
    %slice3A_1311 = vector.extract_strided_slice %get3A_6 {offsets = [6], sizes = [1], strides = [1]} : vector<16xf32> to vector<1xf32>
    %squeeze3A_1312 = vector.extract %slice3A_1311[0] : f32 from vector<1xf32>
    %mul3A_1313 = vector.broadcast %squeeze3A_1312 : f32 to vector<16xf32>
    %mul3A_1314 = arith.mulf %mul3A_1313, %sub3A_1244 : vector<16xf32>
    %add3A_1315 = arith.addf %get3A_1240, %mul3A_1314 : vector<16xf32>
    %swap3A_1316 = arith.constant 6 : i32
    %swap3A_1317 = arith.index_cast %swap3A_1316 : i32 to index
    %swap3A_1318 = arith.constant 208 : index
    %swap3A_1319 = tpu.vector_load %arg5[%swap3A_1317, %swap3A_1318] {strides = array<i32>} : memref<8x256xf32, #tpu.memory_space<vmem>>, vector<1x16xf32>,
    %swap3A_1320 = vector.shape_cast %swap3A_1319 : vector<1x16xf32> to vector<16xf32>
    %swap3A_1321 = vector.shape_cast %add3A_1315 : vector<16xf32> to vector<1x16xf32>
    tpu.vector_store %arg5[%swap3A_1317, %swap3A_1318], %swap3A_1321 {strides = array<i32>} : memref<8x256xf32, #tpu.memory_space<vmem>>, vector<1x16xf32>,
    %slice3A_1322 = vector.extract_strided_slice %get3A_6 {offsets = [7], sizes = [1], strides = [1]} : vector<16xf32> to vector<1xf32>
    %squeeze3A_1323 = vector.extract %slice3A_1322[0] : f32 from vector<1xf32>
    %mul3A_1324 = vector.broadcast %squeeze3A_1323 : f32 to vector<16xf32>
    %mul3A_1325 = arith.mulf %mul3A_1324, %sub3A_1244 : vector<16xf32>
    %add3A_1326 = arith.addf %get3A_1240, %mul3A_1325 : vector<16xf32>
    %swap3A_1327 = arith.constant 7 : i32
    %swap3A_1328 = arith.index_cast %swap3A_1327 : i32 to index
    %swap3A_1329 = arith.constant 208 : index
    %swap3A_1330 = tpu.vector_load %arg5[%swap3A_1328, %swap3A_1329] {strides = array<i32>} : memref<8x256xf32, #tpu.memory_space<vmem>>, vector<1x16xf32>,
    %swap3A_1331 = vector.shape_cast %swap3A_1330 : vector<1x16xf32> to vector<16xf32>
    %swap3A_1332 = vector.shape_cast %add3A_1326 : vector<16xf32> to vector<1x16xf32>
    tpu.vector_store %arg5[%swap3A_1328, %swap3A_1329], %swap3A_1332 {strides = array<i32>} : memref<8x256xf32, #tpu.memory_space<vmem>>, vector<1x16xf32>,
    %get3A_1333 = arith.constant 224 : index
    %get3A_1334 = tpu.vector_load %arg4[%get3A_1333] {strides = array<i32>} : memref<768xf32, #tpu.memory_space<vmem>>, vector<16xf32>,
    %get3A_1335 = vector.shape_cast %get3A_1334 : vector<16xf32> to vector<16xf32>
    %get3A_1336 = arith.constant 480 : index
    %get3A_1337 = tpu.vector_load %arg4[%get3A_1336] {strides = array<i32>} : memref<768xf32, #tpu.memory_space<vmem>>, vector<16xf32>,
    %get3A_1338 = vector.shape_cast %get3A_1337 : vector<16xf32> to vector<16xf32>
    %sub3A_1339 = arith.subf %get3A_1338, %get3A_1335 : vector<16xf32>
    %slice3A_1340 = vector.extract_strided_slice %get3A_6 {offsets = [0], sizes = [1], strides = [1]} : vector<16xf32> to vector<1xf32>
    %squeeze3A_1341 = vector.extract %slice3A_1340[0] : f32 from vector<1xf32>
    %mul3A_1342 = vector.broadcast %squeeze3A_1341 : f32 to vector<16xf32>
    %mul3A_1343 = arith.mulf %mul3A_1342, %sub3A_1339 : vector<16xf32>
    %add3A_1344 = arith.addf %get3A_1335, %mul3A_1343 : vector<16xf32>
    %swap3A_1345 = arith.constant 0 : i32
    %swap3A_1346 = arith.index_cast %swap3A_1345 : i32 to index
    %swap3A_1347 = arith.constant 224 : index
    %swap3A_1348 = tpu.vector_load %arg5[%swap3A_1346, %swap3A_1347] {strides = array<i32>} : memref<8x256xf32, #tpu.memory_space<vmem>>, vector<1x16xf32>,
    %swap3A_1349 = vector.shape_cast %swap3A_1348 : vector<1x16xf32> to vector<16xf32>
    %swap3A_1350 = vector.shape_cast %add3A_1344 : vector<16xf32> to vector<1x16xf32>
    tpu.vector_store %arg5[%swap3A_1346, %swap3A_1347], %swap3A_1350 {strides = array<i32>} : memref<8x256xf32, #tpu.memory_space<vmem>>, vector<1x16xf32>,
    %slice3A_1351 = vector.extract_strided_slice %get3A_6 {offsets = [1], sizes = [1], strides = [1]} : vector<16xf32> to vector<1xf32>
    %squeeze3A_1352 = vector.extract %slice3A_1351[0] : f32 from vector<1xf32>
    %mul3A_1353 = vector.broadcast %squeeze3A_1352 : f32 to vector<16xf32>
    %mul3A_1354 = arith.mulf %mul3A_1353, %sub3A_1339 : vector<16xf32>
    %add3A_1355 = arith.addf %get3A_1335, %mul3A_1354 : vector<16xf32>
    %swap3A_1356 = arith.constant 1 : i32
    %swap3A_1357 = arith.index_cast %swap3A_1356 : i32 to index
    %swap3A_1358 = arith.constant 224 : index
    %swap3A_1359 = tpu.vector_load %arg5[%swap3A_1357, %swap3A_1358] {strides = array<i32>} : memref<8x256xf32, #tpu.memory_space<vmem>>, vector<1x16xf32>,
    %swap3A_1360 = vector.shape_cast %swap3A_1359 : vector<1x16xf32> to vector<16xf32>
    %swap3A_1361 = vector.shape_cast %add3A_1355 : vector<16xf32> to vector<1x16xf32>
    tpu.vector_store %arg5[%swap3A_1357, %swap3A_1358], %swap3A_1361 {strides = array<i32>} : memref<8x256xf32, #tpu.memory_space<vmem>>, vector<1x16xf32>,
    %slice3A_1362 = vector.extract_strided_slice %get3A_6 {offsets = [2], sizes = [1], strides = [1]} : vector<16xf32> to vector<1xf32>
    %squeeze3A_1363 = vector.extract %slice3A_1362[0] : f32 from vector<1xf32>
    %mul3A_1364 = vector.broadcast %squeeze3A_1363 : f32 to vector<16xf32>
    %mul3A_1365 = arith.mulf %mul3A_1364, %sub3A_1339 : vector<16xf32>
    %add3A_1366 = arith.addf %get3A_1335, %mul3A_1365 : vector<16xf32>
    %swap3A_1367 = arith.constant 2 : i32
    %swap3A_1368 = arith.index_cast %swap3A_1367 : i32 to index
    %swap3A_1369 = arith.constant 224 : index
    %swap3A_1370 = tpu.vector_load %arg5[%swap3A_1368, %swap3A_1369] {strides = array<i32>} : memref<8x256xf32, #tpu.memory_space<vmem>>, vector<1x16xf32>,
    %swap3A_1371 = vector.shape_cast %swap3A_1370 : vector<1x16xf32> to vector<16xf32>
    %swap3A_1372 = vector.shape_cast %add3A_1366 : vector<16xf32> to vector<1x16xf32>
    tpu.vector_store %arg5[%swap3A_1368, %swap3A_1369], %swap3A_1372 {strides = array<i32>} : memref<8x256xf32, #tpu.memory_space<vmem>>, vector<1x16xf32>,
    %slice3A_1373 = vector.extract_strided_slice %get3A_6 {offsets = [3], sizes = [1], strides = [1]} : vector<16xf32> to vector<1xf32>
    %squeeze3A_1374 = vector.extract %slice3A_1373[0] : f32 from vector<1xf32>
    %mul3A_1375 = vector.broadcast %squeeze3A_1374 : f32 to vector<16xf32>
    %mul3A_1376 = arith.mulf %mul3A_1375, %sub3A_1339 : vector<16xf32>
    %add3A_1377 = arith.addf %get3A_1335, %mul3A_1376 : vector<16xf32>
    %swap3A_1378 = arith.constant 3 : i32
    %swap3A_1379 = arith.index_cast %swap3A_1378 : i32 to index
    %swap3A_1380 = arith.constant 224 : index
    %swap3A_1381 = tpu.vector_load %arg5[%swap3A_1379, %swap3A_1380] {strides = array<i32>} : memref<8x256xf32, #tpu.memory_space<vmem>>, vector<1x16xf32>,
    %swap3A_1382 = vector.shape_cast %swap3A_1381 : vector<1x16xf32> to vector<16xf32>
    %swap3A_1383 = vector.shape_cast %add3A_1377 : vector<16xf32> to vector<1x16xf32>
    tpu.vector_store %arg5[%swap3A_1379, %swap3A_1380], %swap3A_1383 {strides = array<i32>} : memref<8x256xf32, #tpu.memory_space<vmem>>, vector<1x16xf32>,
    %slice3A_1384 = vector.extract_strided_slice %get3A_6 {offsets = [4], sizes = [1], strides = [1]} : vector<16xf32> to vector<1xf32>
    %squeeze3A_1385 = vector.extract %slice3A_1384[0] : f32 from vector<1xf32>
    %mul3A_1386 = vector.broadcast %squeeze3A_1385 : f32 to vector<16xf32>
    %mul3A_1387 = arith.mulf %mul3A_1386, %sub3A_1339 : vector<16xf32>
    %add3A_1388 = arith.addf %get3A_1335, %mul3A_1387 : vector<16xf32>
    %swap3A_1389 = arith.constant 4 : i32
    %swap3A_1390 = arith.index_cast %swap3A_1389 : i32 to index
    %swap3A_1391 = arith.constant 224 : index
    %swap3A_1392 = tpu.vector_load %arg5[%swap3A_1390, %swap3A_1391] {strides = array<i32>} : memref<8x256xf32, #tpu.memory_space<vmem>>, vector<1x16xf32>,
    %swap3A_1393 = vector.shape_cast %swap3A_1392 : vector<1x16xf32> to vector<16xf32>
    %swap3A_1394 = vector.shape_cast %add3A_1388 : vector<16xf32> to vector<1x16xf32>
    tpu.vector_store %arg5[%swap3A_1390, %swap3A_1391], %swap3A_1394 {strides = array<i32>} : memref<8x256xf32, #tpu.memory_space<vmem>>, vector<1x16xf32>,
    %slice3A_1395 = vector.extract_strided_slice %get3A_6 {offsets = [5], sizes = [1], strides = [1]} : vector<16xf32> to vector<1xf32>
    %squeeze3A_1396 = vector.extract %slice3A_1395[0] : f32 from vector<1xf32>
    %mul3A_1397 = vector.broadcast %squeeze3A_1396 : f32 to vector<16xf32>
    %mul3A_1398 = arith.mulf %mul3A_1397, %sub3A_1339 : vector<16xf32>
    %add3A_1399 = arith.addf %get3A_1335, %mul3A_1398 : vector<16xf32>
    %swap3A_1400 = arith.constant 5 : i32
    %swap3A_1401 = arith.index_cast %swap3A_1400 : i32 to index
    %swap3A_1402 = arith.constant 224 : index
    %swap3A_1403 = tpu.vector_load %arg5[%swap3A_1401, %swap3A_1402] {strides = array<i32>} : memref<8x256xf32, #tpu.memory_space<vmem>>, vector<1x16xf32>,
    %swap3A_1404 = vector.shape_cast %swap3A_1403 : vector<1x16xf32> to vector<16xf32>
    %swap3A_1405 = vector.shape_cast %add3A_1399 : vector<16xf32> to vector<1x16xf32>
    tpu.vector_store %arg5[%swap3A_1401, %swap3A_1402], %swap3A_1405 {strides = array<i32>} : memref<8x256xf32, #tpu.memory_space<vmem>>, vector<1x16xf32>,
    %slice3A_1406 = vector.extract_strided_slice %get3A_6 {offsets = [6], sizes = [1], strides = [1]} : vector<16xf32> to vector<1xf32>
    %squeeze3A_1407 = vector.extract %slice3A_1406[0] : f32 from vector<1xf32>
    %mul3A_1408 = vector.broadcast %squeeze3A_1407 : f32 to vector<16xf32>
    %mul3A_1409 = arith.mulf %mul3A_1408, %sub3A_1339 : vector<16xf32>
    %add3A_1410 = arith.addf %get3A_1335, %mul3A_1409 : vector<16xf32>
    %swap3A_1411 = arith.constant 6 : i32
    %swap3A_1412 = arith.index_cast %swap3A_1411 : i32 to index
    %swap3A_1413 = arith.constant 224 : index
    %swap3A_1414 = tpu.vector_load %arg5[%swap3A_1412, %swap3A_1413] {strides = array<i32>} : memref<8x256xf32, #tpu.memory_space<vmem>>, vector<1x16xf32>,
    %swap3A_1415 = vector.shape_cast %swap3A_1414 : vector<1x16xf32> to vector<16xf32>
    %swap3A_1416 = vector.shape_cast %add3A_1410 : vector<16xf32> to vector<1x16xf32>
    tpu.vector_store %arg5[%swap3A_1412, %swap3A_1413], %swap3A_1416 {strides = array<i32>} : memref<8x256xf32, #tpu.memory_space<vmem>>, vector<1x16xf32>,
    %slice3A_1417 = vector.extract_strided_slice %get3A_6 {offsets = [7], sizes = [1], strides = [1]} : vector<16xf32> to vector<1xf32>
    %squeeze3A_1418 = vector.extract %slice3A_1417[0] : f32 from vector<1xf32>
    %mul3A_1419 = vector.broadcast %squeeze3A_1418 : f32 to vector<16xf32>
    %mul3A_1420 = arith.mulf %mul3A_1419, %sub3A_1339 : vector<16xf32>
    %add3A_1421 = arith.addf %get3A_1335, %mul3A_1420 : vector<16xf32>
    %swap3A_1422 = arith.constant 7 : i32
    %swap3A_1423 = arith.index_cast %swap3A_1422 : i32 to index
    %swap3A_1424 = arith.constant 224 : index
    %swap3A_1425 = tpu.vector_load %arg5[%swap3A_1423, %swap3A_1424] {strides = array<i32>} : memref<8x256xf32, #tpu.memory_space<vmem>>, vector<1x16xf32>,
    %swap3A_1426 = vector.shape_cast %swap3A_1425 : vector<1x16xf32> to vector<16xf32>
    %swap3A_1427 = vector.shape_cast %add3A_1421 : vector<16xf32> to vector<1x16xf32>
    tpu.vector_store %arg5[%swap3A_1423, %swap3A_1424], %swap3A_1427 {strides = array<i32>} : memref<8x256xf32, #tpu.memory_space<vmem>>, vector<1x16xf32>,
    %get3A_1428 = arith.constant 240 : index
    %get3A_1429 = tpu.vector_load %arg4[%get3A_1428] {strides = array<i32>} : memref<768xf32, #tpu.memory_space<vmem>>, vector<16xf32>,
    %get3A_1430 = vector.shape_cast %get3A_1429 : vector<16xf32> to vector<16xf32>
    %get3A_1431 = arith.constant 496 : index
    %get3A_1432 = tpu.vector_load %arg4[%get3A_1431] {strides = array<i32>} : memref<768xf32, #tpu.memory_space<vmem>>, vector<16xf32>,
    %get3A_1433 = vector.shape_cast %get3A_1432 : vector<16xf32> to vector<16xf32>
    %sub3A_1434 = arith.subf %get3A_1433, %get3A_1430 : vector<16xf32>
    %slice3A_1435 = vector.extract_strided_slice %get3A_6 {offsets = [0], sizes = [1], strides = [1]} : vector<16xf32> to vector<1xf32>
    %squeeze3A_1436 = vector.extract %slice3A_1435[0] : f32 from vector<1xf32>
    %mul3A_1437 = vector.broadcast %squeeze3A_1436 : f32 to vector<16xf32>
    %mul3A_1438 = arith.mulf %mul3A_1437, %sub3A_1434 : vector<16xf32>
    %add3A_1439 = arith.addf %get3A_1430, %mul3A_1438 : vector<16xf32>
    %swap3A_1440 = arith.constant 0 : i32
    %swap3A_1441 = arith.index_cast %swap3A_1440 : i32 to index
    %swap3A_1442 = arith.constant 240 : index
    %swap3A_1443 = tpu.vector_load %arg5[%swap3A_1441, %swap3A_1442] {strides = array<i32>} : memref<8x256xf32, #tpu.memory_space<vmem>>, vector<1x16xf32>,
    %swap3A_1444 = vector.shape_cast %swap3A_1443 : vector<1x16xf32> to vector<16xf32>
    %swap3A_1445 = vector.shape_cast %add3A_1439 : vector<16xf32> to vector<1x16xf32>
    tpu.vector_store %arg5[%swap3A_1441, %swap3A_1442], %swap3A_1445 {strides = array<i32>} : memref<8x256xf32, #tpu.memory_space<vmem>>, vector<1x16xf32>,
    %slice3A_1446 = vector.extract_strided_slice %get3A_6 {offsets = [1], sizes = [1], strides = [1]} : vector<16xf32> to vector<1xf32>
    %squeeze3A_1447 = vector.extract %slice3A_1446[0] : f32 from vector<1xf32>
    %mul3A_1448 = vector.broadcast %squeeze3A_1447 : f32 to vector<16xf32>
    %mul3A_1449 = arith.mulf %mul3A_1448, %sub3A_1434 : vector<16xf32>
    %add3A_1450 = arith.addf %get3A_1430, %mul3A_1449 : vector<16xf32>
    %swap3A_1451 = arith.constant 1 : i32
    %swap3A_1452 = arith.index_cast %swap3A_1451 : i32 to index
    %swap3A_1453 = arith.constant 240 : index
    %swap3A_1454 = tpu.vector_load %arg5[%swap3A_1452, %swap3A_1453] {strides = array<i32>} : memref<8x256xf32, #tpu.memory_space<vmem>>, vector<1x16xf32>,
    %swap3A_1455 = vector.shape_cast %swap3A_1454 : vector<1x16xf32> to vector<16xf32>
    %swap3A_1456 = vector.shape_cast %add3A_1450 : vector<16xf32> to vector<1x16xf32>
    tpu.vector_store %arg5[%swap3A_1452, %swap3A_1453], %swap3A_1456 {strides = array<i32>} : memref<8x256xf32, #tpu.memory_space<vmem>>, vector<1x16xf32>,
    %slice3A_1457 = vector.extract_strided_slice %get3A_6 {offsets = [2], sizes = [1], strides = [1]} : vector<16xf32> to vector<1xf32>
    %squeeze3A_1458 = vector.extract %slice3A_1457[0] : f32 from vector<1xf32>
    %mul3A_1459 = vector.broadcast %squeeze3A_1458 : f32 to vector<16xf32>
    %mul3A_1460 = arith.mulf %mul3A_1459, %sub3A_1434 : vector<16xf32>
    %add3A_1461 = arith.addf %get3A_1430, %mul3A_1460 : vector<16xf32>
    %swap3A_1462 = arith.constant 2 : i32
    %swap3A_1463 = arith.index_cast %swap3A_1462 : i32 to index
    %swap3A_1464 = arith.constant 240 : index
    %swap3A_1465 = tpu.vector_load %arg5[%swap3A_1463, %swap3A_1464] {strides = array<i32>} : memref<8x256xf32, #tpu.memory_space<vmem>>, vector<1x16xf32>,
    %swap3A_1466 = vector.shape_cast %swap3A_1465 : vector<1x16xf32> to vector<16xf32>
    %swap3A_1467 = vector.shape_cast %add3A_1461 : vector<16xf32> to vector<1x16xf32>
    tpu.vector_store %arg5[%swap3A_1463, %swap3A_1464], %swap3A_1467 {strides = array<i32>} : memref<8x256xf32, #tpu.memory_space<vmem>>, vector<1x16xf32>,
    %slice3A_1468 = vector.extract_strided_slice %get3A_6 {offsets = [3], sizes = [1], strides = [1]} : vector<16xf32> to vector<1xf32>
    %squeeze3A_1469 = vector.extract %slice3A_1468[0] : f32 from vector<1xf32>
    %mul3A_1470 = vector.broadcast %squeeze3A_1469 : f32 to vector<16xf32>
    %mul3A_1471 = arith.mulf %mul3A_1470, %sub3A_1434 : vector<16xf32>
    %add3A_1472 = arith.addf %get3A_1430, %mul3A_1471 : vector<16xf32>
    %swap3A_1473 = arith.constant 3 : i32
    %swap3A_1474 = arith.index_cast %swap3A_1473 : i32 to index
    %swap3A_1475 = arith.constant 240 : index
    %swap3A_1476 = tpu.vector_load %arg5[%swap3A_1474, %swap3A_1475] {strides = array<i32>} : memref<8x256xf32, #tpu.memory_space<vmem>>, vector<1x16xf32>,
    %swap3A_1477 = vector.shape_cast %swap3A_1476 : vector<1x16xf32> to vector<16xf32>
    %swap3A_1478 = vector.shape_cast %add3A_1472 : vector<16xf32> to vector<1x16xf32>
    tpu.vector_store %arg5[%swap3A_1474, %swap3A_1475], %swap3A_1478 {strides = array<i32>} : memref<8x256xf32, #tpu.memory_space<vmem>>, vector<1x16xf32>,
    %slice3A_1479 = vector.extract_strided_slice %get3A_6 {offsets = [4], sizes = [1], strides = [1]} : vector<16xf32> to vector<1xf32>
    %squeeze3A_1480 = vector.extract %slice3A_1479[0] : f32 from vector<1xf32>
    %mul3A_1481 = vector.broadcast %squeeze3A_1480 : f32 to vector<16xf32>
    %mul3A_1482 = arith.mulf %mul3A_1481, %sub3A_1434 : vector<16xf32>
    %add3A_1483 = arith.addf %get3A_1430, %mul3A_1482 : vector<16xf32>
    %swap3A_1484 = arith.constant 4 : i32
    %swap3A_1485 = arith.index_cast %swap3A_1484 : i32 to index
    %swap3A_1486 = arith.constant 240 : index
    %swap3A_1487 = tpu.vector_load %arg5[%swap3A_1485, %swap3A_1486] {strides = array<i32>} : memref<8x256xf32, #tpu.memory_space<vmem>>, vector<1x16xf32>,
    %swap3A_1488 = vector.shape_cast %swap3A_1487 : vector<1x16xf32> to vector<16xf32>
    %swap3A_1489 = vector.shape_cast %add3A_1483 : vector<16xf32> to vector<1x16xf32>
    tpu.vector_store %arg5[%swap3A_1485, %swap3A_1486], %swap3A_1489 {strides = array<i32>} : memref<8x256xf32, #tpu.memory_space<vmem>>, vector<1x16xf32>,
    %slice3A_1490 = vector.extract_strided_slice %get3A_6 {offsets = [5], sizes = [1], strides = [1]} : vector<16xf32> to vector<1xf32>
    %squeeze3A_1491 = vector.extract %slice3A_1490[0] : f32 from vector<1xf32>
    %mul3A_1492 = vector.broadcast %squeeze3A_1491 : f32 to vector<16xf32>
    %mul3A_1493 = arith.mulf %mul3A_1492, %sub3A_1434 : vector<16xf32>
    %add3A_1494 = arith.addf %get3A_1430, %mul3A_1493 : vector<16xf32>
    %swap3A_1495 = arith.constant 5 : i32
    %swap3A_1496 = arith.index_cast %swap3A_1495 : i32 to index
    %swap3A_1497 = arith.constant 240 : index
    %swap3A_1498 = tpu.vector_load %arg5[%swap3A_1496, %swap3A_1497] {strides = array<i32>} : memref<8x256xf32, #tpu.memory_space<vmem>>, vector<1x16xf32>,
    %swap3A_1499 = vector.shape_cast %swap3A_1498 : vector<1x16xf32> to vector<16xf32>
    %swap3A_1500 = vector.shape_cast %add3A_1494 : vector<16xf32> to vector<1x16xf32>
    tpu.vector_store %arg5[%swap3A_1496, %swap3A_1497], %swap3A_1500 {strides = array<i32>} : memref<8x256xf32, #tpu.memory_space<vmem>>, vector<1x16xf32>,
    %slice3A_1501 = vector.extract_strided_slice %get3A_6 {offsets = [6], sizes = [1], strides = [1]} : vector<16xf32> to vector<1xf32>
    %squeeze3A_1502 = vector.extract %slice3A_1501[0] : f32 from vector<1xf32>
    %mul3A_1503 = vector.broadcast %squeeze3A_1502 : f32 to vector<16xf32>
    %mul3A_1504 = arith.mulf %mul3A_1503, %sub3A_1434 : vector<16xf32>
    %add3A_1505 = arith.addf %get3A_1430, %mul3A_1504 : vector<16xf32>
    %swap3A_1506 = arith.constant 6 : i32
    %swap3A_1507 = arith.index_cast %swap3A_1506 : i32 to index
    %swap3A_1508 = arith.constant 240 : index
    %swap3A_1509 = tpu.vector_load %arg5[%swap3A_1507, %swap3A_1508] {strides = array<i32>} : memref<8x256xf32, #tpu.memory_space<vmem>>, vector<1x16xf32>,
    %swap3A_1510 = vector.shape_cast %swap3A_1509 : vector<1x16xf32> to vector<16xf32>
    %swap3A_1511 = vector.shape_cast %add3A_1505 : vector<16xf32> to vector<1x16xf32>
    tpu.vector_store %arg5[%swap3A_1507, %swap3A_1508], %swap3A_1511 {strides = array<i32>} : memref<8x256xf32, #tpu.memory_space<vmem>>, vector<1x16xf32>,
    %slice3A_1512 = vector.extract_strided_slice %get3A_6 {offsets = [7], sizes = [1], strides = [1]} : vector<16xf32> to vector<1xf32>
    %squeeze3A_1513 = vector.extract %slice3A_1512[0] : f32 from vector<1xf32>
    %mul3A_1514 = vector.broadcast %squeeze3A_1513 : f32 to vector<16xf32>
    %mul3A_1515 = arith.mulf %mul3A_1514, %sub3A_1434 : vector<16xf32>
    %add3A_1516 = arith.addf %get3A_1430, %mul3A_1515 : vector<16xf32>
    %swap3A_1517 = arith.constant 7 : i32
    %swap3A_1518 = arith.index_cast %swap3A_1517 : i32 to index
    %swap3A_1519 = arith.constant 240 : index
    %swap3A_1520 = tpu.vector_load %arg5[%swap3A_1518, %swap3A_1519] {strides = array<i32>} : memref<8x256xf32, #tpu.memory_space<vmem>>, vector<1x16xf32>,
    %swap3A_1521 = vector.shape_cast %swap3A_1520 : vector<1x16xf32> to vector<16xf32>
    %swap3A_1522 = vector.shape_cast %add3A_1516 : vector<16xf32> to vector<1x16xf32>
    tpu.vector_store %arg5[%swap3A_1518, %swap3A_1519], %swap3A_1522 {strides = array<i32>} : memref<8x256xf32, #tpu.memory_space<vmem>>, vector<1x16xf32>,
    %mul3A_1523 = arith.constant 8 : i32
    %mul3A_1524 = arith.muli %add3A, %mul3A_1523 : i32
    "tpu.region"() ({
      %run_scoped3A = tpu.sem_alloc : memref<!tpu.dma_semaphore, #tpu.memory_space<semaphore_mem>>
      %dma_start3A = arith.constant 0 : i32
      %dma_start3A_1525 = tpu.memref_slice %arg3[%mul3A_1524, %dma_start3A] : memref<128x256xf32, #tpu.memory_space<hbm>> -> memref<8x256xf32, #tpu.memory_space<hbm>>
      %dma_start3A_1526 = arith.constant 0 : i32
      %dma_start3A_1527 = tpu.memref_slice %arg3[%mul3A_1524, %dma_start3A_1526] : memref<128x256xf32, #tpu.memory_space<hbm>> -> memref<8x256xf32, #tpu.memory_space<hbm>>
      tpu.enqueue_dma source(%arg5 : memref<8x256xf32, #tpu.memory_space<vmem>>) target(%dma_start3A_1527 : memref<8x256xf32, #tpu.memory_space<hbm>>) target_semaphore(%run_scoped3A : memref<!tpu.dma_semaphore, #tpu.memory_space<semaphore_mem>>)
      %dma_wait3A = arith.constant 0 : i32
      %dma_wait3A_1528 = tpu.memref_slice %arg3[%mul3A_1524, %dma_wait3A] : memref<128x256xf32, #tpu.memory_space<hbm>> -> memref<8x256xf32, #tpu.memory_space<hbm>>
      %dma_wait3A_1529 = arith.constant 0 : i32
      %dma_wait3A_1530 = tpu.memref_slice %arg3[%mul3A_1524, %dma_wait3A_1529] : memref<128x256xf32, #tpu.memory_space<hbm>> -> memref<8x256xf32, #tpu.memory_space<hbm>>
      tpu.wait_dma2 semaphore(%run_scoped3A : memref<!tpu.dma_semaphore, #tpu.memory_space<semaphore_mem>>) src(%arg5 : memref<8x256xf32, #tpu.memory_space<vmem>>) dst(%dma_wait3A_1530 : memref<8x256xf32, #tpu.memory_space<hbm>>)
      tpu.yield
    }) : () -> ()
    return
  }
}

</mosaic_0001>

<sc_bundles>
// kernel: kernel.3.cloned.1.call-start
scs
__scs_entry_jumppad:
0x0: {  	(pc) =	sbr.rel $0x88, $3  }
0x1: {  	(tag) =	ssettag $0x0;
	lr =	simm.s32 $0x1  }
0x2: {  	[smem:$0x3F9F] =	sst lr;
	_ =	strace $0xD0000000  }
0x3: {  	_ = 	snop  }
0x4: {  	_ = 	snop  }
0x5: {  	_ = 	snop  }
0x6: {  	_ = 	snop  }
0x7: {  	_ = 	snop  }
__scs_overlays_trampoline_lowered:
0x8: {  	[smem:$0x3FAE] =	sst s0  }
0x9: {  	[smem:$0x3FAF] =	sst s1  }
0xa: {  	[smem:$0x3FB0] =	sst s2  }
0xb: {  	[smem:$0x3FB1] =	sst s3  }
0xc: {  	[smem:$0x3FB2] =	sst s4  }
0xd: {  	[smem:$0x3FB3] =	sst s5  }
0xe: {  	[smem:$0x3FB4] =	sst s6  }
0xf: {  	[smem:$0x3FB5] =	sst s7  }
0x10: {  	[smem:$0x3FB6] =	sst s8  }
0x11: {  	[smem:$0x3FB7] =	sst s9;
	s0 =	simm.s32 @!p0 $0x0  }
0x12: {  	s1 =	sld [smem:$0x3F9D];
	s0 =	simm.s32 @p0 $0x1  }
0x13: {  	[smem:$0x3FB8] =	sst s0;
	s0 =	simm.s32 @!p1 $0x0  }
0x14: {  	s2 =	sld [smem:$0x3F9C];
	s0 =	simm.s32 @p1 $0x1  }
0x15: {  	[smem:$0x3FB9] =	sst s0;
	s0 =	simm.s32 @!p2 $0x0  }
0x16: {  	s3 =	sld [smem:$0x3FDB];
	s0 =	simm.s32 @p2 $0x1  }
0x17: {  	s4 =	simm.s32 $0x1BF5;
	[smem:$0x3FBB] =	sst s0  }
0x18: {  	s0 =	sld [smem:$0x3F9E];
	_ =	swait.ge [sflag:s4], $0x0  }
0x19: {  	s7 =	sld [smem:$0x3F9F]  }
0x1a: {  	s8 =	sadd.s32 $0xFFFFE003, lr  }
0x1b: {  	s9 =	sadd.s32 $0xFFFFFEF7, lr;
	s5 =	simm.s32 $0xFFFFFFFF;
	p2 =	slt.u32 s8, $0xFFFFF086  }
0x1c: {  	p1 =	slt.u32 s9, $0xF7A;
	s5 =	simm.s32 @!p2 $0x0  }
0x1d: {  	s5 =	simm.s32 @p1 $0x1;
	p0 =	seq.s32 s7, s2  }
0x1e: {  	s7 =	smul.u32 @!p0 $0xF7A, s2;
	p2 =	seq.s32 @!p0 s5, $0x0  }
0x1f: {  	s9 =	smul.u32 $0xF7A, s1;
	s8 =	simm.s32 @!p0 $0x1BF5;
	p2 =	por !p2, p0  }
0x20: {  	[sflag:s8] =	ssyncset.s32 @!p0 $0xFFFFF086;
	s6 =	sadd.s32 @!p0 s3, s7;
	s7 =	simm.s32 @!p0 $0x108  }
0x21: {  	s3 =	sadd.s32 s3, s9;
	s6 =	sadd.s32 @!p0 $0x88, s6;
	s7 =	simm.s32 @p2 $0x1082  }
0x22: {  	[simem:s7], [sflag:s8] =	dma.local @!p0 [hbm:s6], $0xF7A  }
0x23: {  	s9 =	sor.u32 $0xD0000000, s2;
	s6 =	simm.s32 $0x108;
	_ =	swait.ge @!p0 [sflag:s8], $0x0  }
0x24: {  	s3 =	sadd.s32 $0x88, s3;
	s6 =	simm.s32 @!p1 $0x1082;
	[sflag:s4] =	ssyncset.s32 $0xFFFFF086  }
0x25: {  	[simem:s6], [sflag:s4] =	dma.local [hbm:s3], $0xF7A  }
0x26: {  	[smem:$0x3F9F] =	sst s1;
	(tag) =	ssettag s2;
	_ =	strace s9  }
0x27: {  	s1 =	sld [smem:$0x3FAF]  }
0x28: {  	s2 =	sld [smem:$0x3FB0]  }
0x29: {  	s4 =	sld [smem:$0x3FB2]  }
0x2a: {  	p0 =	seq.s32 s5, $0x0;
	s5 =	sld [smem:$0x3FB3]  }
0x2b: {  	s6 =	sld [smem:$0x3FB4]  }
0x2c: {  	s7 =	sld [smem:$0x3FB5]  }
0x2d: {  	s3 =	simm.s32 $0x108;
	s8 =	sld [smem:$0x3FB6]  }
0x2e: {  	s3 =	simm.s32 @!p0 $0x1082;
	s9 =	sld [smem:$0x3FB7]  }
0x2f: {  	lr =	sadd.s32 s0, s3;
	s0 =	sld [smem:$0x3FAE]  }
0x30: {  	s3 =	sld [smem:$0x3FB1]  }
0x31: {  	[smem:$0x3FBA] =	sst s10  }
0x32: {  	s10 =	sld [smem:$0x3FB8];
	_ =	sdelay $0x3  }
0x33: {  	p0 =	seq.s32 s10, $0x1;
	s10 =	sld [smem:$0x3FBA];
	_ =	sdelay $0x3  }
0x34: {  	[smem:$0x3FBA] =	sst s10  }
0x35: {  	s10 =	sld [smem:$0x3FB9];
	_ =	sdelay $0x3  }
0x36: {  	p1 =	seq.s32 s10, $0x1;
	s10 =	sld [smem:$0x3FBA];
	_ =	sdelay $0x3  }
0x37: {  	[smem:$0x3FBA] =	sst s10  }
0x38: {  	s10 =	sld [smem:$0x3FBB]  }
0x39: {  	_ = 	snop;
	(pc) =	sbr.ind lr, $3  }
0x3a: {  	_ = 	snop  }
0x3b: {  	_ = 	snop  }
0x3c: {  	p2 =	seq.s32 s10, $0x1;
	s10 =	sld [smem:$0x3FBA]  }
0x3d: {  	_ =	shalt  }
0x3e: {  	_ =	shalt  }
0x3f: {  	_ =	shalt  }
0x40: {  	_ =	shalt  }
0x41: {  	_ =	shalt  }
0x42: {  	_ =	shalt  }
0x43: {  	_ =	shalt  }
0x44: {  	_ =	shalt  }
0x45: {  	_ =	shalt  }
0x46: {  	_ =	shalt  }
0x47: {  	_ =	shalt  }
0x48: {  	_ =	shalt  }
0x49: {  	_ =	shalt  }
0x4a: {  	_ =	shalt  }
0x4b: {  	_ =	shalt  }
0x4c: {  	_ =	shalt  }
0x4d: {  	_ =	shalt  }
0x4e: {  	_ =	shalt  }
0x4f: {  	_ =	shalt  }
0x50: {  	_ =	shalt  }
0x51: {  	_ =	shalt  }
0x52: {  	_ =	shalt  }
0x53: {  	_ =	shalt  }
0x54: {  	_ =	shalt  }
0x55: {  	_ =	shalt  }
0x56: {  	_ =	shalt  }
0x57: {  	_ =	shalt  }
0x58: {  	_ =	shalt  }
0x59: {  	_ =	shalt  }
0x5a: {  	_ =	shalt  }
0x5b: {  	_ =	shalt  }
0x5c: {  	_ =	shalt  }
0x5d: {  	_ =	shalt  }
0x5e: {  	_ =	shalt  }
0x5f: {  	_ =	shalt  }
0x60: {  	_ =	shalt  }
0x61: {  	_ =	shalt  }
0x62: {  	_ =	shalt  }
0x63: {  	_ =	shalt  }
0x64: {  	_ =	shalt  }
0x65: {  	_ =	shalt  }
0x66: {  	_ =	shalt  }
0x67: {  	_ =	shalt  }
0x68: {  	_ =	shalt  }
0x69: {  	_ =	shalt  }
0x6a: {  	_ =	shalt  }
0x6b: {  	_ =	shalt  }
0x6c: {  	_ =	shalt  }
0x6d: {  	_ =	shalt  }
0x6e: {  	_ =	shalt  }
0x6f: {  	_ =	shalt  }
0x70: {  	_ =	shalt  }
0x71: {  	_ =	shalt  }
0x72: {  	_ =	shalt  }
0x73: {  	_ =	shalt  }
0x74: {  	_ =	shalt  }
0x75: {  	_ =	shalt  }
0x76: {  	_ =	shalt  }
0x77: {  	_ =	shalt  }
0x78: {  	_ =	shalt  }
0x79: {  	_ =	shalt  }
0x7a: {  	_ =	shalt  }
0x7b: {  	_ =	shalt  }
0x7c: {  	_ =	shalt  }
0x7d: {  	_ =	shalt  }
0x7e: {  	_ =	shalt  }
0x7f: {  	_ =	shalt  }
0x80: {  	_ =	shalt  }
0x81: {  	_ =	shalt  }
0x82: {  	_ =	shalt  }
0x83: {  	_ =	shalt  }
0x84: {  	_ =	shalt  }
0x85: {  	_ =	shalt  }
0x86: {  	_ =	shalt  }
0x87: {  	_ =	shalt  }
.Lfunc_end0:
.L_simem_size_0:
called_computation_lowered:
.L_overlay_start_0:
0x88: {  	s0 =	sld [smem:$0x3FD9]  }
0x89: {  	s1 =	sld [smem:$0x3FFE];
	_ =	sdelay $0x3  }
0x8a: {  	s0 =	sadd.s32 s1, s0  }
0x8b: {  	[smem:$0x3FC6] =	sst s0  }
0x8c: {  	_ = 	snop  }
0x8d: {  	s0 =	sld [smem:$0x3FD0];
	(tm) =	ssettm $0x1  }
0x8e: {  	s16 =	sld [smem:$0x3FFB];
	_ =	sdelay $0x3  }
0x8f: {  	_ =	strace s16  }
0x90: {  	s1 =	sld [smem:$0x3FFC];
	_ =	sdelay $0x3  }
0x91: {  	_ =	strace s1  }
0x92: {  	s1 =	sld [smem:$0x3FFD];
	_ =	sdelay $0x3  }
0x93: {  	_ =	strace s1  }
0x94: {  	_ =	strace $0x8FFFFFFF  }
0x95: {  	s17 =	sld [smem:$0x3FDB];
	_ =	sdelay $0x1  }
0x96: {  	s2 =	simm.s32 $_scs_section_size  }
0x97: {  	s3 =	simm.s32 $_size__tile_overlayer_lowered;
	s4 =	simm.s32 $_tile_overlayer_lowered  }
0x98: {  	s20 =	simm.s32 $0x1BFF;
	s19 =	sshll.u32 s4, $0x1;
	s1 =	sadd.s32 s2, s17  }
0x99: {  	s5 =	simm.s32 $0x0;
	s18 =	sshll.u32 s3, $0x1;
	s3 =	sadd.s32 s19, s1  }
0x9a: {  	[timem:s5], [sflag:s20] =	dma.local [hbm:s3], s18  }
0x9b: {  	_ =	swait.ge [sflag:s20], s18  }
0x9c: {  	s2 =	ssub.s32 $0x0, s18;
	[sflag:s20] =	ssyncset.done $0x0  }
0x9d: {  	[sflag:s20] =	ssyncadd.s32 s2;
	_ =	sdelay $0x1  }
0x9e: {  	s21 =	simm.s32 $0x1B8B  }
0x9f: {  	_ =	swait.ge [sflag:s21], $0x1  }
0xa0: {  	[sflag:s21] =	ssyncset.done $0x0  }
0xa1: {  	s23 =	simm.s32 $0x1B8E;
	s22 =	sld [smem:$0x3FFE];
	[sflag:s21] =	ssyncadd.s32 $0xFFFFFFFF  }
0xa2: {  	s24 =	simm.s32 $execute0_lowered;
	[smem:$0x3FD2] =	sst s23  }
0xa3: {  	s3 =	sshll.u32 s24, $0x1;
	_ =	strace $0x80000046;
	[dreg:$0x1] =	wrdreg $0xFFFFFFFF  }
0xa4: {  	s25 =	simm.s32 $_size_execute0_lowered;
	s1 =	sadd.s32 s1, s3;
	[dreg:$0x0] =	wrdreg $0x0  }
0xa5: {  	s3 =	sshll.u32 s25, $0x1;
	[dreg:$0x2] =	wrdreg s1  }
0xa6: {  	[dreg:$0x3] =	wrdreg s3  }
0xa7: {  	[dreg:$0x4] =	wrdreg $0xC0  }
0xa8: {  	_ =	task [dreg:s5], $0x5FFFF  }
0xa9: {  	[dreg:$0x1] =	wrdreg $0xFFFFFFFF  }
0xaa: {  	[dreg:$0x0] =	wrdreg $0x60  }
0xab: {  	[dreg:$0x2] =	wrdreg s22  }
0xac: {  	[dreg:$0x3] =	wrdreg s0  }
0xad: {  	[dreg:$0x4] =	wrdreg $0x9  }
0xae: {  	_ =	task.clear_ibuf [dreg:s5], $0x5FFFF;
	_ =	strace $0x90000046  }
0xaf: {  	s26 =	simm.s32 $0x9;
	_ =	strace $0x80000048  }
0xb0: {  	_ =	swait.ge [sflag:s26], $0x1  }
0xb1: {  	[sflag:s26] =	ssyncadd.s32 $0xFFFFFFFF  }
0xb2: {  	_ =	strace $0x90000048  }
0xb3: {  	_ =	sfence  }
0xb4: {  	s28 =	sld [smem:$0x0];
	_ =	sdelay $0x1  }
0xb5: {  	s29 =	srdreg.scid  }
0xb6: {  	s30 =	sshll.u32 s29, $0xD;
	s31 =	sshrl.u32 s29, $0x2  }
0xb7: {  	s2 =	sand.u32 $0x4000, s30;
	s1 =	sand.u32 $0x1, s29;
	s0 =	sadd.s32 s31, s28  }
0xb8: {  	s1 =	sor.u32 s2, s1;
	s0 =	sshll.u32 s0, $0x11  }
0xb9: {  	s0 =	sor.u32 s0, s1  }
0xba: {  	s0 =	sadd.s32 $0x8F2B, s0  }
0xbb: {  	[sflag:s0] =	ssyncadd.remote.s32 $0x1  }
0xbc: {  	_ =	sfence.sel $0xFFFF  }
0xbd: {  	[dreg:$0x0] =	wrdreg $0xFFFFFFFF;
	(pc) =	sbr.abs _section_cstart, $3  }
0xbe: {  	[dreg:$0x1] =	wrdreg $0xFFFFFFFF  }
0xbf: {  	_ =	task.clear_ibuf [dreg:s5], $0x2FFFF;
	_ =	strace $0x9FFFFFFF  }
0xc0: {  	(tm) =	ssettm $0x7FFFFFFF  }
0xc1: {  	_ =	shalt  }
tec
execute0_lowered:
.L_overlay_start_1:
0x0: {  	(tag) =	ssettag $0x1  }
0x1: {  	s1 =	rddreg [dreg:$0x0]  }
0x2: {  	s3 =	rddreg [dreg:$0x1]  }
0x3: {  	s0 =	rddreg [dreg:$0x2];
	s2 =	simm.s32 $0x0  }
0x4: {  	[smem:$0x7FF] =	sst s2  }
0x5: {  	s4 =	simm.s32 $0x1;
	s1 =	sadd.s32 $0x800, s1;
	_ =	strace $0x80000047  }
0x6: {  	[tilespmem:s2], [sflag:$0x1] =	stream.linear.gather [hbm4b:s1+s2], $0x300, $0x38;
	[tilespmem:$0xB00] =	vst v63  }
0x7: {  	_ =	swait.ge [sflag:s4], $0x300  }
0x8: {  	s28 =	stileid.u32;
	[sflag:s4] =	ssyncset.done $0x0  }
0x9: {  	s5 =	sshll.u32 s28, $0x4;
	[sflag:s4] =	ssyncadd.s32 $0xFFFFFD00  }
0xa: {  	v7 =	vld [tilespmem:s5+$0x200]  }
0xb: {  	v8 =	vld [tilespmem:$0x0]  }
0xc: {  	v0 =	vld [tilespmem:$0x100];
	_ =	sdelay $0x2  }
0xd: {  	v10 =	vld [tilespmem:$0x10]  }
0xe: {  	v11 =	vld [tilespmem:$0x110]  }
0xf: {  	v9 =	vsub.f32 v0, v8;
	v6 =	vbroadcast v7, $0x0  }
0x10: {  	v2 =	vbroadcast v7, $0x1  }
0x11: {  	v0 =	vbroadcast v7, $0x2;
	v3 =	vmul.f32 v9, v6  }
0x12: {  	v1 =	vbroadcast v7, $0x3;
	v4 =	vmul.f32 v9, v2  }
0x13: {  	v11 =	vsub.f32 v11, v10;
	v12 =	vmul.f32 v9, v0;
	v5 =	vadd.f32 v3, v8  }
0x14: {  	v14 =	vmul.f32 v9, v1;
	v13 =	vadd.f32 v4, v8  }
0x15: {  	v39 =	vmul.f32 v11, v6;
	v12 =	vadd.f32 v12, v8;
	[tilespmem:$0x300] =	vst v5  }
0x16: {  	v41 =	vmul.f32 v11, v2;
	v33 =	vadd.f32 v14, v8;
	[tilespmem:$0x380] =	vst v13  }
0x17: {  	v44 =	vmul.f32 v11, v0;
	v3 =	vbroadcast v7, $0x4;
	v43 =	vadd.f32 v39, v10;
	[tilespmem:$0x400] =	vst v12  }
0x18: {  	v46 =	vmul.f32 v11, v1;
	v4 =	vbroadcast v7, $0x5;
	v45 =	vadd.f32 v41, v10;
	[tilespmem:$0x480] =	vst v33  }
0x19: {  	v40 =	vld [tilespmem:$0x20];
	v47 =	vadd.f32 v44, v10;
	v15 =	vmul.f32 v9, v3;
	[tilespmem:$0x310] =	vst v43  }
0x1a: {  	v42 =	vld [tilespmem:$0x120];
	v49 =	vadd.f32 v46, v10;
	v34 =	vmul.f32 v9, v4;
	[tilespmem:$0x390] =	vst v45  }
0x1b: {  	v5 =	vbroadcast v7, $0x6;
	v48 =	vmul.f32 v11, v3;
	[tilespmem:$0x410] =	vst v47;
	v35 =	vadd.f32 v15, v8  }
0x1c: {  	v7 =	vbroadcast v7, $0x7;
	v50 =	vmul.f32 v11, v4;
	[tilespmem:$0x490] =	vst v49;
	v37 =	vadd.f32 v34, v8  }
0x1d: {  	v36 =	vmul.f32 v9, v5;
	v51 =	vadd.f32 v48, v10;
	[tilespmem:$0x500] =	vst v35  }
0x1e: {  	v9 =	vmul.f32 v9, v7;
	v53 =	vadd.f32 v50, v10;
	[tilespmem:$0x580] =	vst v37  }
0x1f: {  	v13 =	vsub.f32 v42, v40;
	v52 =	vmul.f32 v11, v5;
	v38 =	vadd.f32 v36, v8;
	[tilespmem:$0x510] =	vst v51  }
0x20: {  	v54 =	vmul.f32 v11, v7;
	v8 =	vadd.f32 v9, v8;
	[tilespmem:$0x590] =	vst v53  }
0x21: {  	v27 =	vld [tilespmem:$0x40];
	v56 =	vmul.f32 v13, v6;
	v55 =	vadd.f32 v52, v10;
	[tilespmem:$0x600] =	vst v38  }
0x22: {  	v30 =	vld [tilespmem:$0x140];
	v59 =	vmul.f32 v13, v2;
	v58 =	vadd.f32 v54, v10;
	[tilespmem:$0x680] =	vst v8  }
0x23: {  	v62 =	vmul.f32 v13, v0;
	v61 =	vadd.f32 v56, v40;
	[tilespmem:$0x610] =	vst v55  }
0x24: {  	v16 =	vmul.f32 v13, v1;
	v63 =	vadd.f32 v59, v40;
	[tilespmem:$0x690] =	vst v58  }
0x25: {  	v18 =	vmul.f32 v13, v3;
	v17 =	vadd.f32 v62, v40;
	[tilespmem:$0x320] =	vst v61  }
0x26: {  	v20 =	vmul.f32 v13, v4;
	v19 =	vadd.f32 v16, v40;
	[tilespmem:$0x3A0] =	vst v63  }
0x27: {  	v57 =	vld [tilespmem:$0x30];
	v22 =	vmul.f32 v13, v5;
	v15 =	vsub.f32 v30, v27;
	v21 =	vadd.f32 v18, v40;
	[tilespmem:$0x420] =	vst v17  }
0x28: {  	v60 =	vld [tilespmem:$0x130];
	v24 =	vmul.f32 v13, v7;
	v23 =	vadd.f32 v20, v40;
	[tilespmem:$0x4A0] =	vst v19  }
0x29: {  	v25 =	vadd.f32 v22, v40;
	v44 =	vmul.f32 v15, v6;
	[tilespmem:$0x520] =	vst v21  }
0x2a: {  	v28 =	vadd.f32 v24, v40;
	v47 =	vmul.f32 v15, v2;
	[tilespmem:$0x5A0] =	vst v23  }
0x2b: {  	v50 =	vmul.f32 v15, v0;
	[tilespmem:$0x620] =	vst v25;
	v49 =	vadd.f32 v44, v27  }
0x2c: {  	v52 =	vmul.f32 v15, v1;
	[tilespmem:$0x6A0] =	vst v28;
	v51 =	vadd.f32 v47, v27  }
0x2d: {  	v10 =	vsub.f32 v60, v57;
	v56 =	vmul.f32 v15, v4;
	v53 =	vadd.f32 v50, v27;
	[tilespmem:$0x340] =	vst v49  }
0x2e: {  	v60 =	vmul.f32 v15, v7;
	v55 =	vadd.f32 v52, v27;
	[tilespmem:$0x3C0] =	vst v51  }
0x2f: {  	v26 =	vmul.f32 v10, v6;
	v59 =	vadd.f32 v56, v27;
	[tilespmem:$0x440] =	vst v53  }
0x30: {  	v29 =	vmul.f32 v10, v2;
	v18 =	vadd.f32 v60, v27;
	[tilespmem:$0x4C0] =	vst v55  }
0x31: {  	v45 =	vld [tilespmem:$0x50];
	v32 =	vmul.f32 v10, v0;
	v31 =	vadd.f32 v26, v57;
	[tilespmem:$0x5C0] =	vst v59  }
0x32: {  	v48 =	vld [tilespmem:$0x150];
	v34 =	vmul.f32 v10, v1;
	v33 =	vadd.f32 v29, v57;
	[tilespmem:$0x6C0] =	vst v18  }
0x33: {  	v36 =	vmul.f32 v10, v3;
	v35 =	vadd.f32 v32, v57;
	[tilespmem:$0x330] =	vst v31  }
0x34: {  	v38 =	vmul.f32 v10, v4;
	v37 =	vadd.f32 v34, v57;
	[tilespmem:$0x3B0] =	vst v33  }
0x35: {  	v40 =	vmul.f32 v10, v5;
	v39 =	vadd.f32 v36, v57;
	[tilespmem:$0x430] =	vst v35  }
0x36: {  	v42 =	vmul.f32 v10, v7;
	v41 =	vadd.f32 v38, v57;
	[tilespmem:$0x4B0] =	vst v37  }
0x37: {  	v54 =	vmul.f32 v15, v3;
	v14 =	vsub.f32 v48, v45;
	v43 =	vadd.f32 v40, v57;
	[tilespmem:$0x530] =	vst v39  }
0x38: {  	v58 =	vmul.f32 v15, v5;
	v46 =	vadd.f32 v42, v57;
	[tilespmem:$0x5B0] =	vst v41  }
0x39: {  	v20 =	vld [tilespmem:$0x160];
	v57 =	vadd.f32 v54, v27;
	v62 =	vmul.f32 v14, v6;
	[tilespmem:$0x630] =	vst v43  }
0x3a: {  	v63 =	vld [tilespmem:$0x60];
	v61 =	vadd.f32 v58, v27;
	v19 =	vmul.f32 v14, v2;
	[tilespmem:$0x6B0] =	vst v46  }
0x3b: {  	v22 =	vmul.f32 v14, v0;
	[tilespmem:$0x540] =	vst v57;
	v21 =	vadd.f32 v62, v45  }
0x3c: {  	v24 =	vmul.f32 v14, v1;
	[tilespmem:$0x640] =	vst v61;
	v23 =	vadd.f32 v19, v45  }
0x3d: {  	v26 =	vmul.f32 v14, v3;
	v25 =	vadd.f32 v22, v45;
	[tilespmem:$0x350] =	vst v21  }
0x3e: {  	v28 =	vmul.f32 v14, v4;
	v27 =	vadd.f32 v24, v45;
	[tilespmem:$0x3D0] =	vst v23  }
0x3f: {  	v30 =	vmul.f32 v14, v5;
	v29 =	vadd.f32 v26, v45;
	v13 =	vsub.f32 v20, v63;
	[tilespmem:$0x450] =	vst v25  }
0x40: {  	v32 =	vmul.f32 v14, v7;
	v31 =	vadd.f32 v28, v45;
	[tilespmem:$0x4D0] =	vst v27  }
0x41: {  	v56 =	vld [tilespmem:$0x180];
	v33 =	vadd.f32 v30, v45;
	[tilespmem:$0x550] =	vst v29;
	v34 =	vmul.f32 v13, v6  }
0x42: {  	v53 =	vld [tilespmem:$0x80];
	v36 =	vadd.f32 v32, v45;
	[tilespmem:$0x5D0] =	vst v31;
	v37 =	vmul.f32 v13, v2  }
0x43: {  	[tilespmem:$0x650] =	vst v33;
	v40 =	vmul.f32 v13, v0;
	v39 =	vadd.f32 v34, v63  }
0x44: {  	[tilespmem:$0x6D0] =	vst v36;
	v42 =	vmul.f32 v13, v1;
	v41 =	vadd.f32 v37, v63  }
0x45: {  	v44 =	vmul.f32 v13, v3;
	v43 =	vadd.f32 v40, v63;
	[tilespmem:$0x360] =	vst v39  }
0x46: {  	v46 =	vmul.f32 v13, v4;
	v45 =	vadd.f32 v42, v63;
	[tilespmem:$0x3E0] =	vst v41  }
0x47: {  	v48 =	vmul.f32 v13, v5;
	v15 =	vsub.f32 v56, v53;
	v47 =	vadd.f32 v44, v63;
	[tilespmem:$0x460] =	vst v43  }
0x48: {  	v38 =	vld [tilespmem:$0x170];
	v50 =	vmul.f32 v13, v7;
	v49 =	vadd.f32 v46, v63;
	[tilespmem:$0x4E0] =	vst v45  }
0x49: {  	v35 =	vld [tilespmem:$0x70];
	v51 =	vadd.f32 v48, v63;
	v24 =	vmul.f32 v15, v6;
	[tilespmem:$0x560] =	vst v47  }
0x4a: {  	v54 =	vadd.f32 v50, v63;
	v27 =	vmul.f32 v15, v2;
	[tilespmem:$0x5E0] =	vst v49  }
0x4b: {  	v30 =	vmul.f32 v15, v0;
	[tilespmem:$0x660] =	vst v51;
	v29 =	vadd.f32 v24, v53  }
0x4c: {  	v34 =	vmul.f32 v15, v3;
	[tilespmem:$0x6E0] =	vst v54;
	v31 =	vadd.f32 v27, v53  }
0x4d: {  	v36 =	vmul.f32 v15, v4;
	v33 =	vadd.f32 v30, v53;
	[tilespmem:$0x700] =	vst v29  }
0x4e: {  	v12 =	vsub.f32 v38, v35;
	v38 =	vmul.f32 v15, v5;
	v37 =	vadd.f32 v34, v53;
	[tilespmem:$0x780] =	vst v31  }
0x4f: {  	v40 =	vmul.f32 v15, v7;
	v39 =	vadd.f32 v36, v53;
	[tilespmem:$0x800] =	vst v33  }
0x50: {  	v52 =	vmul.f32 v12, v6;
	v41 =	vadd.f32 v38, v53;
	[tilespmem:$0x900] =	vst v37  }
0x51: {  	v28 =	vld [tilespmem:$0x190];
	v55 =	vmul.f32 v12, v2;
	v44 =	vadd.f32 v40, v53;
	[tilespmem:$0x980] =	vst v39  }
0x52: {  	v25 =	vld [tilespmem:$0x90];
	v58 =	vmul.f32 v12, v0;
	v57 =	vadd.f32 v52, v35;
	[tilespmem:$0xA00] =	vst v41  }
0x53: {  	v60 =	vmul.f32 v12, v1;
	v59 =	vadd.f32 v55, v35;
	[tilespmem:$0xA80] =	vst v44  }
0x54: {  	v62 =	vmul.f32 v12, v3;
	v61 =	vadd.f32 v58, v35;
	[tilespmem:$0x370] =	vst v57  }
0x55: {  	v18 =	vmul.f32 v12, v4;
	v63 =	vadd.f32 v60, v35;
	[tilespmem:$0x3F0] =	vst v59  }
0x56: {  	v20 =	vmul.f32 v12, v5;
	v19 =	vadd.f32 v62, v35;
	[tilespmem:$0x470] =	vst v61  }
0x57: {  	v22 =	vmul.f32 v12, v7;
	v14 =	vsub.f32 v28, v25;
	v21 =	vadd.f32 v18, v35;
	[tilespmem:$0x4F0] =	vst v63  }
0x58: {  	v32 =	vmul.f32 v15, v1;
	v23 =	vadd.f32 v20, v35;
	[tilespmem:$0x570] =	vst v19  }
0x59: {  	v46 =	vld [tilespmem:$0x1A0];
	v26 =	vadd.f32 v22, v35;
	v42 =	vmul.f32 v14, v6;
	[tilespmem:$0x5F0] =	vst v21  }
0x5a: {  	v43 =	vld [tilespmem:$0xA0];
	v35 =	vadd.f32 v32, v53;
	v45 =	vmul.f32 v14, v2;
	[tilespmem:$0x670] =	vst v23  }
0x5b: {  	v48 =	vmul.f32 v14, v0;
	[tilespmem:$0x6F0] =	vst v26;
	v47 =	vadd.f32 v42, v25  }
0x5c: {  	v50 =	vmul.f32 v14, v1;
	[tilespmem:$0x880] =	vst v35;
	v49 =	vadd.f32 v45, v25  }
0x5d: {  	v52 =	vmul.f32 v14, v3;
	v51 =	vadd.f32 v48, v25;
	[tilespmem:$0x710] =	vst v47  }
0x5e: {  	v54 =	vmul.f32 v14, v4;
	v53 =	vadd.f32 v50, v25;
	[tilespmem:$0x790] =	vst v49  }
0x5f: {  	v56 =	vmul.f32 v14, v5;
	v55 =	vadd.f32 v52, v25;
	v13 =	vsub.f32 v46, v43;
	[tilespmem:$0x810] =	vst v51  }
0x60: {  	v58 =	vmul.f32 v14, v7;
	v57 =	vadd.f32 v54, v25;
	[tilespmem:$0x890] =	vst v53  }
0x61: {  	v34 =	vld [tilespmem:$0x1C0];
	v59 =	vadd.f32 v56, v25;
	[tilespmem:$0x910] =	vst v55;
	v60 =	vmul.f32 v13, v6  }
0x62: {  	v31 =	vld [tilespmem:$0xC0];
	v62 =	vadd.f32 v58, v25;
	[tilespmem:$0x990] =	vst v57;
	v63 =	vmul.f32 v13, v2  }
0x63: {  	[tilespmem:$0xA10] =	vst v59;
	v18 =	vmul.f32 v13, v0;
	v17 =	vadd.f32 v60, v43  }
0x64: {  	[tilespmem:$0xA90] =	vst v62;
	v20 =	vmul.f32 v13, v1;
	v19 =	vadd.f32 v63, v43  }
0x65: {  	v22 =	vmul.f32 v13, v3;
	v21 =	vadd.f32 v18, v43;
	[tilespmem:$0x720] =	vst v17  }
0x66: {  	v24 =	vmul.f32 v13, v4;
	v23 =	vadd.f32 v20, v43;
	[tilespmem:$0x7A0] =	vst v19  }
0x67: {  	v26 =	vmul.f32 v13, v5;
	v15 =	vsub.f32 v34, v31;
	v25 =	vadd.f32 v22, v43;
	[tilespmem:$0x820] =	vst v21  }
0x68: {  	v16 =	vld [tilespmem:$0x1B0];
	v28 =	vmul.f32 v13, v7;
	v27 =	vadd.f32 v24, v43;
	[tilespmem:$0x8A0] =	vst v23  }
0x69: {  	v61 =	vld [tilespmem:$0xB0];
	v29 =	vadd.f32 v26, v43;
	v48 =	vmul.f32 v15, v6;
	[tilespmem:$0x920] =	vst v25  }
0x6a: {  	v32 =	vadd.f32 v28, v43;
	v51 =	vmul.f32 v15, v2;
	[tilespmem:$0x9A0] =	vst v27  }
0x6b: {  	v54 =	vmul.f32 v15, v0;
	[tilespmem:$0xA20] =	vst v29;
	v53 =	vadd.f32 v48, v31  }
0x6c: {  	v56 =	vmul.f32 v15, v1;
	[tilespmem:$0xAA0] =	vst v32;
	v55 =	vadd.f32 v51, v31  }
0x6d: {  	v60 =	vmul.f32 v15, v4;
	v57 =	vadd.f32 v54, v31;
	[tilespmem:$0x740] =	vst v53  }
0x6e: {  	v12 =	vsub.f32 v16, v61;
	v62 =	vmul.f32 v15, v5;
	v59 =	vadd.f32 v56, v31;
	[tilespmem:$0x7C0] =	vst v55  }
0x6f: {  	v18 =	vmul.f32 v15, v7;
	v63 =	vadd.f32 v60, v31;
	[tilespmem:$0x840] =	vst v57  }
0x70: {  	v30 =	vmul.f32 v12, v6;
	v19 =	vadd.f32 v62, v31;
	[tilespmem:$0x8C0] =	vst v59  }
0x71: {  	v52 =	vld [tilespmem:$0x1D0];
	v33 =	vmul.f32 v12, v2;
	v22 =	vadd.f32 v18, v31;
	[tilespmem:$0x9C0] =	vst v63  }
0x72: {  	v49 =	vld [tilespmem:$0xD0];
	v36 =	vmul.f32 v12, v0;
	v35 =	vadd.f32 v30, v61;
	[tilespmem:$0xA40] =	vst v19  }
0x73: {  	v38 =	vmul.f32 v12, v1;
	v37 =	vadd.f32 v33, v61;
	[tilespmem:$0xAC0] =	vst v22  }
0x74: {  	v40 =	vmul.f32 v12, v3;
	v39 =	vadd.f32 v36, v61;
	[tilespmem:$0x730] =	vst v35  }
0x75: {  	v42 =	vmul.f32 v12, v4;
	v41 =	vadd.f32 v38, v61;
	[tilespmem:$0x7B0] =	vst v37  }
0x76: {  	v44 =	vmul.f32 v12, v5;
	v43 =	vadd.f32 v40, v61;
	[tilespmem:$0x830] =	vst v39  }
0x77: {  	v46 =	vmul.f32 v12, v7;
	v14 =	vsub.f32 v52, v49;
	v45 =	vadd.f32 v42, v61;
	[tilespmem:$0x8B0] =	vst v41  }
0x78: {  	v58 =	vmul.f32 v15, v3;
	v47 =	vadd.f32 v44, v61;
	[tilespmem:$0x930] =	vst v43  }
0x79: {  	v24 =	vld [tilespmem:$0x1E0];
	v50 =	vadd.f32 v46, v61;
	v20 =	vmul.f32 v14, v6;
	[tilespmem:$0x9B0] =	vst v45  }
0x7a: {  	v21 =	vld [tilespmem:$0xE0];
	v61 =	vadd.f32 v58, v31;
	v23 =	vmul.f32 v14, v2;
	[tilespmem:$0xA30] =	vst v47  }
0x7b: {  	v26 =	vmul.f32 v14, v0;
	[tilespmem:$0xAB0] =	vst v50;
	v25 =	vadd.f32 v20, v49  }
0x7c: {  	v28 =	vmul.f32 v14, v1;
	[tilespmem:$0x940] =	vst v61;
	v27 =	vadd.f32 v23, v49  }
0x7d: {  	v30 =	vmul.f32 v14, v3;
	v29 =	vadd.f32 v26, v49;
	[tilespmem:$0x750] =	vst v25  }
0x7e: {  	v32 =	vmul.f32 v14, v4;
	v31 =	vadd.f32 v28, v49;
	[tilespmem:$0x7D0] =	vst v27  }
0x7f: {  	v34 =	vmul.f32 v14, v5;
	v33 =	vadd.f32 v30, v49;
	v13 =	vsub.f32 v24, v21;
	[tilespmem:$0x850] =	vst v29  }
0x80: {  	v36 =	vmul.f32 v14, v7;
	v35 =	vadd.f32 v32, v49;
	[tilespmem:$0x8D0] =	vst v31  }
0x81: {  	v42 =	vld [tilespmem:$0x1F0];
	v37 =	vadd.f32 v34, v49;
	[tilespmem:$0x950] =	vst v33;
	v38 =	vmul.f32 v13, v6  }
0x82: {  	v39 =	vld [tilespmem:$0xF0];
	v40 =	vadd.f32 v36, v49;
	[tilespmem:$0x9D0] =	vst v35;
	v41 =	vmul.f32 v13, v2  }
0x83: {  	[tilespmem:$0xA50] =	vst v37;
	v44 =	vmul.f32 v13, v0;
	v43 =	vadd.f32 v38, v21  }
0x84: {  	[tilespmem:$0xAD0] =	vst v40;
	v46 =	vmul.f32 v13, v1;
	v45 =	vadd.f32 v41, v21  }
0x85: {  	v48 =	vmul.f32 v13, v3;
	v47 =	vadd.f32 v44, v21;
	[tilespmem:$0x760] =	vst v43  }
0x86: {  	v50 =	vmul.f32 v13, v4;
	v49 =	vadd.f32 v46, v21;
	[tilespmem:$0x7E0] =	vst v45  }
0x87: {  	v52 =	vmul.f32 v13, v5;
	v51 =	vadd.f32 v48, v21;
	v12 =	vsub.f32 v42, v39;
	[tilespmem:$0x860] =	vst v47  }
0x88: {  	v54 =	vmul.f32 v13, v7;
	v53 =	vadd.f32 v50, v21;
	[tilespmem:$0x8E0] =	vst v49  }
0x89: {  	v55 =	vadd.f32 v52, v21;
	[tilespmem:$0x960] =	vst v51;
	v6 =	vmul.f32 v12, v6  }
0x8a: {  	v56 =	vadd.f32 v54, v21;
	[tilespmem:$0x9E0] =	vst v53;
	v2 =	vmul.f32 v12, v2  }
0x8b: {  	[tilespmem:$0xA60] =	vst v55;
	v0 =	vmul.f32 v12, v0;
	v6 =	vadd.f32 v6, v39  }
0x8c: {  	[tilespmem:$0xAE0] =	vst v56;
	v1 =	vmul.f32 v12, v1;
	v2 =	vadd.f32 v2, v39  }
0x8d: {  	v3 =	vmul.f32 v12, v3;
	v0 =	vadd.f32 v0, v39;
	[tilespmem:$0x770] =	vst v6  }
0x8e: {  	v57 =	vmul.f32 v12, v4;
	v1 =	vadd.f32 v1, v39;
	[tilespmem:$0x7F0] =	vst v2  }
0x8f: {  	v59 =	vmul.f32 v12, v5;
	v58 =	vadd.f32 v3, v39;
	[tilespmem:$0x870] =	vst v0  }
0x90: {  	v61 =	vmul.f32 v12, v7;
	v60 =	vadd.f32 v57, v39;
	[tilespmem:$0x8F0] =	vst v1  }
0x91: {  	v62 =	vadd.f32 v59, v39;
	[tilespmem:$0x970] =	vst v58  }
0x92: {  	v63 =	vadd.f32 v61, v39;
	[tilespmem:$0x9F0] =	vst v60  }
0x93: {  	s29 =	sshll.u32 s28, $0x8;
	[tilespmem:$0xA70] =	vst v62  }
0x94: {  	s30 =	simm.s32 $0x300;
	s31 =	simm.s32 $0x2;
	s3 =	sadd.s32 s3, s29;
	[tilespmem:$0xAF0] =	vst v63  }
0x95: {  	[hbm4b:s3+s2] =	stream.linear.scatter [tilespmem:s30], [sflag:$0x2], $0x800, $0x38;
	[tilespmem:$0xB00] =	vst v63  }
0x96: {  	_ =	swait.ge [sflag:s31], $0x800  }
0x97: {  	[sflag:s31] =	ssyncset.done $0x0  }
0x98: {  	[sflag:s31] =	ssyncadd.s32 $0xFFFFF800  }
0x99: {  	_ =	sfence.sel $0x180000  }
0x9a: {  	[bflag:$0x0] =	sbarrier.arrive $0xFFFF  }
0x9b: {  	p0 =	sne.s32 s28, $0x0;
	_ =	strace $0x90000047  }
0x9c: {  	s0 =	sadd.s32 @!p0 $0x100000, s0;
	[bflag:$0x2] =	sbarrier.arrive $0xFFFF  }
0x9d: {  	[sflag:s0] =	ssyncadd.tile.s32 @!p0 $0x1;
	_ =	shalt  }
.Lfunc_end2:
_tile_overlayer_lowered:
.L_overlay_start_2:
0x9e: {  	(tag) =	ssettag $0x2  }
0x9f: {  	s0 =	rddreg [dreg:$0x0];
	s2 =	stileid.u32  }
0xa0: {  	s1 =	rddreg [dreg:$0x1];
	p0 =	sne.s32 s2, $0x0  }
0xa1: {  	s3 =	rddreg [dreg:$0x2];
	[bflag:$0x3] =	sbarrier.arrive $0xFFFF;
	s2 =	simm.s32 @!p0 $0x1C02  }
0xa2: {  	[timem:s3], [sflag:s2] =	dma.local @!p0 [hbm:s0], s1  }
0xa3: {  	s0 =	simm.s32 @!p0 $0x2  }
0xa4: {  	_ =	swait.ge @!p0 [sflag:s0], s1  }
0xa5: {  	s1 =	ssub.s32 @!p0 $0x0, s1;
	[sflag:s0] =	ssyncset.done @!p0 $0x0  }
0xa6: {  	[sflag:s0] =	ssyncadd.s32 @!p0 s1  }
0xa7: {  	[bflag:$0x3] =	sbarrier.arrive $0xFFFF  }
0xa8: {  	_ =	shalt  }

</sc_bundles>
